<compile_context>
chip_gen: v7x
topology: tpu7x:2x2x1
jax: 0.10.2.dev20260603
libtpu: 0.0.44.dev20260713+nightly
codegen_flags: <defaults>
</compile_context>

<pallas_src>
import functools

import jax
import jax.numpy as jnp
from jax import lax
from jax.experimental import pallas as pl
from jax.experimental.pallas import tpu as pltpu
from jax.experimental.pallas import tpu_sc as plsc

_T, _D, _E, _H = 2048, 768, 64, 1024
_C = 64
_S = _E * _C
_NC, _NS = 2, 16
_NW = _NC * _NS



def _router_body(x_ref, rw_ref, slot_ref, gain_ref):
    logits = jnp.dot(x_ref[...], rw_ref[...], preferred_element_type=jnp.float32)
    m = jnp.max(logits, axis=-1, keepdims=True)
    ex = jnp.exp(logits - m)
    s = jnp.sum(ex, axis=-1, keepdims=True)
    probs = ex / s
    pm = jnp.max(probs, axis=-1, keepdims=True)
    iota_e = lax.broadcasted_iota(jnp.int32, (_T, _E), 1)
    e = jnp.min(jnp.where(probs == pm, iota_e, _E), axis=-1, keepdims=True)
    onehot = (iota_e == e).astype(jnp.float32)

    chunk = 256
    r = lax.broadcasted_iota(jnp.int32, (chunk, chunk), 0)
    c = lax.broadcasted_iota(jnp.int32, (chunk, chunk), 1)
    tri = (r > c).astype(jnp.float32)
    counts = jnp.zeros((1, _E), jnp.float32)
    pos_cols = []
    for i in range(_T // chunk):
        oh = onehot[i * chunk:(i + 1) * chunk, :]
        pos_chunk = jnp.dot(tri, oh, preferred_element_type=jnp.float32) + counts
        pos_cols.append(jnp.sum(pos_chunk * oh, axis=-1, keepdims=True))
        counts = counts + jnp.sum(oh, axis=0, keepdims=True)
    pos = jnp.concatenate(pos_cols, axis=0).astype(jnp.int32)

    keep = pos < _C
    slot_ref[...] = jnp.where(keep, e * _C + pos, -1)
    gain_ref[...] = jnp.where(keep, pm, 0.0)


def _router(x, router_w):
    return pl.pallas_call(
        _router_body,
        out_shape=(
            jax.ShapeDtypeStruct((_T, 1), jnp.int32),
            jax.ShapeDtypeStruct((_T, 1), jnp.float32),
        ),
    )(x, router_w)



_G = 1
_SG = _S // _G
_SPW = _SG // _NW
_SSC = _SG // _NC
_TPW = _T // _NS


def _dispatch_body(g, slot_hbm, x_hbm, ein_hbm, slots_v, tok_v, rows_v, sem):
    wid = lax.axis_index("s") * _NC + lax.axis_index("c")
    lo = g * _SG + wid * _SPW
    pltpu.sync_copy(slot_hbm, slots_v)
    base = (wid * _SPW) & (_T - 1)
    for i in range(_SPW // 16):
        tok_v[pl.ds(i * 16, 16)] = lax.broadcasted_iota(jnp.int32, (16,), 0) + (base + i * 16)

    def scan(i, carry):
        sl = slots_v[pl.ds(i * 16, 16)]
        tok = lax.broadcasted_iota(jnp.int32, (16,), 0) + i * 16
        m = (sl >= lo) & (sl < lo + _SPW)
        plsc.store_scatter(tok_v, [sl - lo], tok, mask=m)
        return carry

    lax.fori_loop(0, _T // 16, scan, 0)
    pltpu.async_copy(x_hbm.at[tok_v], rows_v, sem).wait()
    pltpu.sync_copy(rows_v, ein_hbm.at[pl.ds(wid * _SPW, _SPW)])


def _dispatch(slot, x, g):
    mesh = plsc.VectorSubcoreMesh(core_axis_name="c", subcore_axis_name="s",
                                   num_cores=_NC, num_subcores=_NS)
    return pl.kernel(
        functools.partial(_dispatch_body, g),
        mesh=mesh,
        compiler_params=pltpu.CompilerParams(needs_layout_passes=False),
        out_type=jax.ShapeDtypeStruct((_SG, _D), jnp.float32),
        scratch_types=[
            pltpu.VMEM((_T,), jnp.int32),
            pltpu.VMEM((_SPW,), jnp.int32),
            pltpu.VMEM((_SPW, _D), jnp.float32),
            pltpu.SemaphoreType.DMA,
        ],
    )(slot, x)



_EB = 2


def _mlp_half_body(ein_ref, w1_ref, w2_ref, out_ref):
    for k in range(_EB):
        a = ein_ref[pl.ds(k * _C, _C), :]
        h = jnp.maximum(
            jnp.dot(a, w1_ref[k], preferred_element_type=jnp.float32), 0.0)
        out_ref[pl.ds(k * _C, _C), :] = jnp.dot(
            h, w2_ref[k], preferred_element_type=jnp.float32)


def _mlp_half(ein_g, w1, w2, eout_prev, g):
    eg = _E // _G
    base = g * eg // _EB
    specs = [
        pl.BlockSpec((_EB * _C, _D), lambda e: (e, 0)),
        pl.BlockSpec((_EB, _D, _H), lambda e, b=base: (e + b, 0, 0)),
        pl.BlockSpec((_EB, _H, _D), lambda e, b=base: (e + b, 0, 0)),
    ]
    args = [ein_g, w1, w2]
    aliases = {}
    body = _mlp_half_body
    if eout_prev is not None:
        specs.append(pl.BlockSpec((_EB * _C, _D), lambda e: (0, 0)))
        args.append(eout_prev)
        aliases = {3: 0}
        body = lambda a, b, c, prev, o: _mlp_half_body(a, b, c, o)
    return pl.pallas_call(
        body,
        grid=(eg // _EB,),
        in_specs=specs,
        out_specs=pl.BlockSpec((_EB * _C, _D), lambda e, b=base: (e + b, 0)),
        out_shape=jax.ShapeDtypeStruct((_S, _D), jnp.float32),
        input_output_aliases=aliases,
        compiler_params=pltpu.CompilerParams(
            dimension_semantics=("arbitrary",),
            vmem_limit_bytes=100 * 1024 * 1024,
        ),
    )(*args)



def _combine_body(slot_hbm, gain_hbm, eout_hbm, out_hbm, slot_v, gain_v, rows_v, sem):
    wid = lax.axis_index("s") * _NC + lax.axis_index("c")
    tpw = _T // _NW
    base = wid * tpw
    pltpu.sync_copy(slot_hbm.at[pl.ds(base, tpw)], slot_v)
    pltpu.sync_copy(gain_hbm.at[pl.ds(base, tpw)], gain_v)
    for i in range(tpw // 16):
        s = slot_v[pl.ds(i * 16, 16)]
        slot_v[pl.ds(i * 16, 16)] = jnp.maximum(s, 0)
    pltpu.async_copy(eout_hbm.at[slot_v], rows_v, sem).wait()

    def scale(j, carry):
        g = plsc.load_gather(gain_v, [jnp.full((16,), j, jnp.int32)])
        for cc in range(_D // 16):
            rows_v[j, pl.ds(cc * 16, 16)] = rows_v[j, pl.ds(cc * 16, 16)] * g
        return carry

    lax.fori_loop(0, tpw, scale, 0)
    pltpu.sync_copy(rows_v, out_hbm.at[pl.ds(base, tpw)])


def _combine(slot, gain, eout):
    mesh = plsc.VectorSubcoreMesh(core_axis_name="c", subcore_axis_name="s",
                                   num_cores=_NC, num_subcores=_NS)
    return pl.kernel(
        _combine_body,
        mesh=mesh,
        compiler_params=pltpu.CompilerParams(needs_layout_passes=False),
        out_type=jax.ShapeDtypeStruct((_T, _D), jnp.float32),
        scratch_types=[
            pltpu.VMEM((_T // _NW,), jnp.int32),
            pltpu.VMEM((_T // _NW,), jnp.float32),
            pltpu.VMEM((_T // _NW, _D), jnp.float32),
            pltpu.SemaphoreType.DMA,
        ],
    )(slot, gain, eout)



def kernel(x, router_w, w1, w2):
    slot2d, gain2d = _router(x, router_w)
    slot = slot2d.reshape(_T)
    gain = gain2d.reshape(_T)
    eins = [_dispatch(slot, x, g) for g in range(_G)]
    eout = None
    for g in range(_G):
        eout = _mlp_half(eins[g], w1, w2, eout, g)
    return _combine(slot, gain, eout)

# --- scband reference (transcript-rebuilt; emitter-appended) ---
"""Pipeline reference for scband-mo-ebase-68023692034150 (READ-ONLY COPY).

The authoritative reference and input builder live on the scoring server;
editing this copy changes nothing except your own understanding.
"""

import jax, jax.numpy as jnp
import numpy as np

T, D, E, H = 2048, 768, 64, 1024
TOP_K = 1
CAPACITY = 2 * T * TOP_K // E


def setup_inputs(seed: int = 0) -> dict:
    key = jax.random.key(seed)
    k0, k1, k2, k3 = jax.random.split(key, 4)
    x = jax.random.normal(k0, (T, D), dtype=jnp.float32)
    router_w = jax.random.normal(k1, (D, E), dtype=jnp.float32) * (D ** -0.5)
    w1 = jax.random.normal(k2, (E, D, H), dtype=jnp.float32) * (D ** -0.5)
    w2 = jax.random.normal(k3, (E, H, D), dtype=jnp.float32) * (H ** -0.5)
    return {"x": x, "router_w": router_w, "w1": w1, "w2": w2}


def reference(x, router_w, w1, w2):
    # Router: logits -> softmax -> top-k expert weights/indices
    logits = x @ router_w                                   # [T, E]
    probs = jax.nn.softmax(logits, axis=-1)
    expert_weights, expert_indices = jax.lax.top_k(probs, TOP_K)   # [T, k]

    flat_idx = expert_indices.reshape(-1)                   # [T*k]
    flat_w = expert_weights.reshape(-1)                     # [T*k]
    onehot = jax.nn.one_hot(flat_idx, E, dtype=x.dtype)     # [T*k, E]

    # Position of each token within its expert's capacity buffer
    pos = (jnp.cumsum(onehot, axis=0) - 1.0) * onehot       # [T*k, E]
    pos_in_expert = jnp.sum(pos, axis=-1).astype(jnp.int32) # [T*k]
    keep = (pos_in_expert < CAPACITY).astype(x.dtype)
    pos_clipped = jnp.clip(pos_in_expert, 0, CAPACITY - 1)

    dispatch = (onehot * keep[:, None])[:, :, None] * \
        jax.nn.one_hot(pos_clipped, CAPACITY, dtype=x.dtype)[:, None, :]   # [T*k, E, C]
    combine = dispatch * flat_w[:, None, None]              # [T*k, E, C]

    x_rep = jnp.repeat(x, TOP_K, axis=0)                    # [T*k, D]

    # Dispatch tokens to experts, run per-expert MLP, combine back
    expert_in = jnp.einsum('tec,td->ecd', dispatch, x_rep)  # [E, C, D]
    hmid = jax.nn.relu(jnp.einsum('ecd,edh->ech', expert_in, w1))  # [E, C, H]
    expert_out = jnp.einsum('ech,ehd->ecd', hmid, w2)       # [E, C, D]
    out_rep = jnp.einsum('tec,ecd->td', combine, expert_out)  # [T*k, D]
    out = out_rep.reshape(T, TOP_K, D).sum(axis=1)          # [T, D]
    return out

if __name__ == "__main__":
    import jax
    _d = setup_inputs()
    print(jax.jit(kernel)(*tuple(_d.values())))

</pallas_src>

<mosaic_0001>
#map = affine_map<(d0, d1) -> (0)>
#map1 = affine_map<(d0, d1) -> (0, 0)>
module attributes {stable_mosaic.version = 14 : i64} {
  func.func @_combine_body(%arg0: i32, %arg1: i32, %arg2: memref<2048xi32, #tpu.memory_space<hbm>>, %arg3: memref<2048xf32, #tpu.memory_space<hbm>>, %arg4: memref<4096x768xf32, #tpu.memory_space<hbm>>, %arg5: memref<2048x768xf32, #tpu.memory_space<hbm>>, %arg6: memref<64xi32, #tpu.memory_space<vmem>>, %arg7: memref<64xf32, #tpu.memory_space<vmem>>, %arg8: memref<64x768xf32, #tpu.memory_space<vmem>>, %arg9: memref<!tpu.dma_semaphore, #tpu.memory_space<semaphore_mem>>) attributes {dimension_semantics = [#tpu.dimension_semantics<core_parallel>, #tpu.dimension_semantics<subcore_parallel>], iteration_bounds = array<i64: 2, 16>, scalar_prefetch = 0 : i64, scratch_operands = 4 : i64, tpu.core_type = #tpu.core_type<sc_vector_subcore>, window_params = [{transform_indices = #map}, {transform_indices = #map}, {transform_indices = #map1}, {transform_indices = #map1}]} {
    %mul3A = arith.constant 2 : i32
    %mul3A_0 = arith.muli %arg1, %mul3A : i32
    %add3A = arith.addi %mul3A_0, %arg0 : i32
    %mul3A_1 = arith.constant 64 : i32
    %mul3A_2 = arith.muli %add3A, %mul3A_1 : i32
    "tpu.region"() ({
      %run_scoped3A = tpu.sem_alloc : memref<!tpu.dma_semaphore, #tpu.memory_space<semaphore_mem>>
      %dma_start3A_37 = tpu.memref_slice %arg2[%mul3A_2] : memref<2048xi32, #tpu.memory_space<hbm>> -> memref<64xi32, #tpu.memory_space<hbm>>
      %dma_start3A_38 = tpu.memref_slice %arg2[%mul3A_2] : memref<2048xi32, #tpu.memory_space<hbm>> -> memref<64xi32, #tpu.memory_space<hbm>>
      tpu.enqueue_dma source(%dma_start3A_38 : memref<64xi32, #tpu.memory_space<hbm>>) target(%arg6 : memref<64xi32, #tpu.memory_space<vmem>>) target_semaphore(%run_scoped3A : memref<!tpu.dma_semaphore, #tpu.memory_space<semaphore_mem>>)
      %dma_wait3A_39 = tpu.memref_slice %arg2[%mul3A_2] : memref<2048xi32, #tpu.memory_space<hbm>> -> memref<64xi32, #tpu.memory_space<hbm>>
      %dma_wait3A_40 = tpu.memref_slice %arg2[%mul3A_2] : memref<2048xi32, #tpu.memory_space<hbm>> -> memref<64xi32, #tpu.memory_space<hbm>>
      tpu.wait_dma2 semaphore(%run_scoped3A : memref<!tpu.dma_semaphore, #tpu.memory_space<semaphore_mem>>) src(%dma_wait3A_40 : memref<64xi32, #tpu.memory_space<hbm>>) dst(%arg6 : memref<64xi32, #tpu.memory_space<vmem>>)
      tpu.yield
    }) : () -> ()
    "tpu.region"() ({
      %run_scoped3A = tpu.sem_alloc : memref<!tpu.dma_semaphore, #tpu.memory_space<semaphore_mem>>
      %dma_start3A_37 = tpu.memref_slice %arg3[%mul3A_2] : memref<2048xf32, #tpu.memory_space<hbm>> -> memref<64xf32, #tpu.memory_space<hbm>>
      %dma_start3A_38 = tpu.memref_slice %arg3[%mul3A_2] : memref<2048xf32, #tpu.memory_space<hbm>> -> memref<64xf32, #tpu.memory_space<hbm>>
      tpu.enqueue_dma source(%dma_start3A_38 : memref<64xf32, #tpu.memory_space<hbm>>) target(%arg7 : memref<64xf32, #tpu.memory_space<vmem>>) target_semaphore(%run_scoped3A : memref<!tpu.dma_semaphore, #tpu.memory_space<semaphore_mem>>)
      %dma_wait3A_39 = tpu.memref_slice %arg3[%mul3A_2] : memref<2048xf32, #tpu.memory_space<hbm>> -> memref<64xf32, #tpu.memory_space<hbm>>
      %dma_wait3A_40 = tpu.memref_slice %arg3[%mul3A_2] : memref<2048xf32, #tpu.memory_space<hbm>> -> memref<64xf32, #tpu.memory_space<hbm>>
      tpu.wait_dma2 semaphore(%run_scoped3A : memref<!tpu.dma_semaphore, #tpu.memory_space<semaphore_mem>>) src(%dma_wait3A_40 : memref<64xf32, #tpu.memory_space<hbm>>) dst(%arg7 : memref<64xf32, #tpu.memory_space<vmem>>)
      tpu.yield
    }) : () -> ()
    %get3A = arith.constant 0 : index
    %get3A_3 = tpu.vector_load %arg6[%get3A] {strides = array<i32>} : memref<64xi32, #tpu.memory_space<vmem>>, vector<16xi32>,
    %max3A = arith.constant 0 : i32
    %max3A_4 = vector.broadcast %max3A : i32 to vector<16xi32>
    %max3A_5 = arith.maxsi %get3A_3, %max3A_4 : vector<16xi32>
    %swap3A = arith.constant 0 : index
    %swap3A_6 = tpu.vector_load %arg6[%swap3A] {strides = array<i32>} : memref<64xi32, #tpu.memory_space<vmem>>, vector<16xi32>,
    tpu.vector_store %arg6[%swap3A], %max3A_5 {strides = array<i32>} : memref<64xi32, #tpu.memory_space<vmem>>, vector<16xi32>,
    %get3A_7 = arith.constant 16 : index
    %get3A_8 = tpu.vector_load %arg6[%get3A_7] {strides = array<i32>} : memref<64xi32, #tpu.memory_space<vmem>>, vector<16xi32>,
    %max3A_9 = arith.constant 0 : i32
    %max3A_10 = vector.broadcast %max3A_9 : i32 to vector<16xi32>
    %max3A_11 = arith.maxsi %get3A_8, %max3A_10 : vector<16xi32>
    %swap3A_12 = arith.constant 16 : index
    %swap3A_13 = tpu.vector_load %arg6[%swap3A_12] {strides = array<i32>} : memref<64xi32, #tpu.memory_space<vmem>>, vector<16xi32>,
    tpu.vector_store %arg6[%swap3A_12], %max3A_11 {strides = array<i32>} : memref<64xi32, #tpu.memory_space<vmem>>, vector<16xi32>,
    %get3A_14 = arith.constant 32 : index
    %get3A_15 = tpu.vector_load %arg6[%get3A_14] {strides = array<i32>} : memref<64xi32, #tpu.memory_space<vmem>>, vector<16xi32>,
    %max3A_16 = arith.constant 0 : i32
    %max3A_17 = vector.broadcast %max3A_16 : i32 to vector<16xi32>
    %max3A_18 = arith.maxsi %get3A_15, %max3A_17 : vector<16xi32>
    %swap3A_19 = arith.constant 32 : index
    %swap3A_20 = tpu.vector_load %arg6[%swap3A_19] {strides = array<i32>} : memref<64xi32, #tpu.memory_space<vmem>>, vector<16xi32>,
    tpu.vector_store %arg6[%swap3A_19], %max3A_18 {strides = array<i32>} : memref<64xi32, #tpu.memory_space<vmem>>, vector<16xi32>,
    %get3A_21 = arith.constant 48 : index
    %get3A_22 = tpu.vector_load %arg6[%get3A_21] {strides = array<i32>} : memref<64xi32, #tpu.memory_space<vmem>>, vector<16xi32>,
    %max3A_23 = arith.constant 0 : i32
    %max3A_24 = vector.broadcast %max3A_23 : i32 to vector<16xi32>
    %max3A_25 = arith.maxsi %get3A_22, %max3A_24 : vector<16xi32>
    %swap3A_26 = arith.constant 48 : index
    %swap3A_27 = tpu.vector_load %arg6[%swap3A_26] {strides = array<i32>} : memref<64xi32, #tpu.memory_space<vmem>>, vector<16xi32>,
    tpu.vector_store %arg6[%swap3A_26], %max3A_25 {strides = array<i32>} : memref<64xi32, #tpu.memory_space<vmem>>, vector<16xi32>,
    %dma_start3A = arith.constant 0 : i32
    %dma_start3A_28 = arith.constant 0 : i32
    %dma_start3A_29 = tpu.memref_slice %arg4[%dma_start3A, %dma_start3A_28] : memref<4096x768xf32, #tpu.memory_space<hbm>> -> memref<4096x768xf32, #tpu.memory_space<hbm>>
    tpu.enqueue_indirect_dma source(%dma_start3A_29 : memref<4096x768xf32, #tpu.memory_space<hbm>>) target(%arg8 : memref<64x768xf32, #tpu.memory_space<vmem>>) offsets(%arg6 : memref<64xi32, #tpu.memory_space<vmem>>) semaphore(%arg9 : memref<!tpu.dma_semaphore, #tpu.memory_space<semaphore_mem>>)
    %dma_wait3A = arith.constant 0 : i32
    %dma_wait3A_30 = arith.constant 0 : i32
    %dma_wait3A_31 = tpu.memref_slice %arg4[%dma_wait3A, %dma_wait3A_30] : memref<4096x768xf32, #tpu.memory_space<hbm>> -> memref<4096x768xf32, #tpu.memory_space<hbm>>
    tpu.wait_indirect_dma semaphore(%arg9 : memref<!tpu.dma_semaphore, #tpu.memory_space<semaphore_mem>>) src(%dma_wait3A_31 : memref<4096x768xf32, #tpu.memory_space<hbm>>) dst(%arg8 : memref<64x768xf32, #tpu.memory_space<vmem>>)
    %scan3A = arith.constant 0 : i32
    %scan3A_32 = arith.constant 0 : i32
    %scan3A_33 = arith.constant 64 : i32
    %scan3A_34 = arith.addi %scan3A_32, %scan3A_33 : i32
    %scan3A_35 = arith.constant 1 : i32
    scf.for %scan3A_37 = %scan3A_32 to %scan3A_34 step %scan3A_35  : i32 {
      %broadcast_in_dim3A = vector.broadcast %scan3A_37 : i32 to vector<16xi32>
      %gather3A = tpu.vector_load_idx %arg7[%broadcast_in_dim3A] : memref<64xf32, #tpu.memory_space<vmem>>[vector<16xi32>], vector<16xf32>,
      %get3A_38 = arith.index_cast %scan3A_37 : i32 to index
      %get3A_39 = arith.constant 0 : index
      %get3A_40 = tpu.vector_load %arg8[%get3A_38, %get3A_39] {strides = array<i32>} : memref<64x768xf32, #tpu.memory_space<vmem>>, vector<16xf32>,
      %mul3A_41 = arith.mulf %get3A_40, %gather3A : vector<16xf32>
      %swap3A_42 = arith.index_cast %scan3A_37 : i32 to index
      %swap3A_43 = arith.constant 0 : index
      %swap3A_44 = tpu.vector_load %arg8[%swap3A_42, %swap3A_43] {strides = array<i32>} : memref<64x768xf32, #tpu.memory_space<vmem>>, vector<16xf32>,
      tpu.vector_store %arg8[%swap3A_42, %swap3A_43], %mul3A_41 {strides = array<i32>} : memref<64x768xf32, #tpu.memory_space<vmem>>, vector<16xf32>,
      %get3A_45 = arith.index_cast %scan3A_37 : i32 to index
      %get3A_46 = arith.constant 16 : index
      %get3A_47 = tpu.vector_load %arg8[%get3A_45, %get3A_46] {strides = array<i32>} : memref<64x768xf32, #tpu.memory_space<vmem>>, vector<16xf32>,
      %mul3A_48 = arith.mulf %get3A_47, %gather3A : vector<16xf32>
      %swap3A_49 = arith.index_cast %scan3A_37 : i32 to index
      %swap3A_50 = arith.constant 16 : index
      %swap3A_51 = tpu.vector_load %arg8[%swap3A_49, %swap3A_50] {strides = array<i32>} : memref<64x768xf32, #tpu.memory_space<vmem>>, vector<16xf32>,
      tpu.vector_store %arg8[%swap3A_49, %swap3A_50], %mul3A_48 {strides = array<i32>} : memref<64x768xf32, #tpu.memory_space<vmem>>, vector<16xf32>,
      %get3A_52 = arith.index_cast %scan3A_37 : i32 to index
      %get3A_53 = arith.constant 32 : index
      %get3A_54 = tpu.vector_load %arg8[%get3A_52, %get3A_53] {strides = array<i32>} : memref<64x768xf32, #tpu.memory_space<vmem>>, vector<16xf32>,
      %mul3A_55 = arith.mulf %get3A_54, %gather3A : vector<16xf32>
      %swap3A_56 = arith.index_cast %scan3A_37 : i32 to index
      %swap3A_57 = arith.constant 32 : index
      %swap3A_58 = tpu.vector_load %arg8[%swap3A_56, %swap3A_57] {strides = array<i32>} : memref<64x768xf32, #tpu.memory_space<vmem>>, vector<16xf32>,
      tpu.vector_store %arg8[%swap3A_56, %swap3A_57], %mul3A_55 {strides = array<i32>} : memref<64x768xf32, #tpu.memory_space<vmem>>, vector<16xf32>,
      %get3A_59 = arith.index_cast %scan3A_37 : i32 to index
      %get3A_60 = arith.constant 48 : index
      %get3A_61 = tpu.vector_load %arg8[%get3A_59, %get3A_60] {strides = array<i32>} : memref<64x768xf32, #tpu.memory_space<vmem>>, vector<16xf32>,
      %mul3A_62 = arith.mulf %get3A_61, %gather3A : vector<16xf32>
      %swap3A_63 = arith.index_cast %scan3A_37 : i32 to index
      %swap3A_64 = arith.constant 48 : index
      %swap3A_65 = tpu.vector_load %arg8[%swap3A_63, %swap3A_64] {strides = array<i32>} : memref<64x768xf32, #tpu.memory_space<vmem>>, vector<16xf32>,
      tpu.vector_store %arg8[%swap3A_63, %swap3A_64], %mul3A_62 {strides = array<i32>} : memref<64x768xf32, #tpu.memory_space<vmem>>, vector<16xf32>,
      %get3A_66 = arith.index_cast %scan3A_37 : i32 to index
      %get3A_67 = arith.constant 64 : index
      %get3A_68 = tpu.vector_load %arg8[%get3A_66, %get3A_67] {strides = array<i32>} : memref<64x768xf32, #tpu.memory_space<vmem>>, vector<16xf32>,
      %mul3A_69 = arith.mulf %get3A_68, %gather3A : vector<16xf32>
      %swap3A_70 = arith.index_cast %scan3A_37 : i32 to index
      %swap3A_71 = arith.constant 64 : index
      %swap3A_72 = tpu.vector_load %arg8[%swap3A_70, %swap3A_71] {strides = array<i32>} : memref<64x768xf32, #tpu.memory_space<vmem>>, vector<16xf32>,
      tpu.vector_store %arg8[%swap3A_70, %swap3A_71], %mul3A_69 {strides = array<i32>} : memref<64x768xf32, #tpu.memory_space<vmem>>, vector<16xf32>,
      %get3A_73 = arith.index_cast %scan3A_37 : i32 to index
      %get3A_74 = arith.constant 80 : index
      %get3A_75 = tpu.vector_load %arg8[%get3A_73, %get3A_74] {strides = array<i32>} : memref<64x768xf32, #tpu.memory_space<vmem>>, vector<16xf32>,
      %mul3A_76 = arith.mulf %get3A_75, %gather3A : vector<16xf32>
      %swap3A_77 = arith.index_cast %scan3A_37 : i32 to index
      %swap3A_78 = arith.constant 80 : index
      %swap3A_79 = tpu.vector_load %arg8[%swap3A_77, %swap3A_78] {strides = array<i32>} : memref<64x768xf32, #tpu.memory_space<vmem>>, vector<16xf32>,
      tpu.vector_store %arg8[%swap3A_77, %swap3A_78], %mul3A_76 {strides = array<i32>} : memref<64x768xf32, #tpu.memory_space<vmem>>, vector<16xf32>,
      %get3A_80 = arith.index_cast %scan3A_37 : i32 to index
      %get3A_81 = arith.constant 96 : index
      %get3A_82 = tpu.vector_load %arg8[%get3A_80, %get3A_81] {strides = array<i32>} : memref<64x768xf32, #tpu.memory_space<vmem>>, vector<16xf32>,
      %mul3A_83 = arith.mulf %get3A_82, %gather3A : vector<16xf32>
      %swap3A_84 = arith.index_cast %scan3A_37 : i32 to index
      %swap3A_85 = arith.constant 96 : index
      %swap3A_86 = tpu.vector_load %arg8[%swap3A_84, %swap3A_85] {strides = array<i32>} : memref<64x768xf32, #tpu.memory_space<vmem>>, vector<16xf32>,
      tpu.vector_store %arg8[%swap3A_84, %swap3A_85], %mul3A_83 {strides = array<i32>} : memref<64x768xf32, #tpu.memory_space<vmem>>, vector<16xf32>,
      %get3A_87 = arith.index_cast %scan3A_37 : i32 to index
      %get3A_88 = arith.constant 112 : index
      %get3A_89 = tpu.vector_load %arg8[%get3A_87, %get3A_88] {strides = array<i32>} : memref<64x768xf32, #tpu.memory_space<vmem>>, vector<16xf32>,
      %mul3A_90 = arith.mulf %get3A_89, %gather3A : vector<16xf32>
      %swap3A_91 = arith.index_cast %scan3A_37 : i32 to index
      %swap3A_92 = arith.constant 112 : index
      %swap3A_93 = tpu.vector_load %arg8[%swap3A_91, %swap3A_92] {strides = array<i32>} : memref<64x768xf32, #tpu.memory_space<vmem>>, vector<16xf32>,
      tpu.vector_store %arg8[%swap3A_91, %swap3A_92], %mul3A_90 {strides = array<i32>} : memref<64x768xf32, #tpu.memory_space<vmem>>, vector<16xf32>,
      %get3A_94 = arith.index_cast %scan3A_37 : i32 to index
      %get3A_95 = arith.constant 128 : index
      %get3A_96 = tpu.vector_load %arg8[%get3A_94, %get3A_95] {strides = array<i32>} : memref<64x768xf32, #tpu.memory_space<vmem>>, vector<16xf32>,
      %mul3A_97 = arith.mulf %get3A_96, %gather3A : vector<16xf32>
      %swap3A_98 = arith.index_cast %scan3A_37 : i32 to index
      %swap3A_99 = arith.constant 128 : index
      %swap3A_100 = tpu.vector_load %arg8[%swap3A_98, %swap3A_99] {strides = array<i32>} : memref<64x768xf32, #tpu.memory_space<vmem>>, vector<16xf32>,
      tpu.vector_store %arg8[%swap3A_98, %swap3A_99], %mul3A_97 {strides = array<i32>} : memref<64x768xf32, #tpu.memory_space<vmem>>, vector<16xf32>,
      %get3A_101 = arith.index_cast %scan3A_37 : i32 to index
      %get3A_102 = arith.constant 144 : index
      %get3A_103 = tpu.vector_load %arg8[%get3A_101, %get3A_102] {strides = array<i32>} : memref<64x768xf32, #tpu.memory_space<vmem>>, vector<16xf32>,
      %mul3A_104 = arith.mulf %get3A_103, %gather3A : vector<16xf32>
      %swap3A_105 = arith.index_cast %scan3A_37 : i32 to index
      %swap3A_106 = arith.constant 144 : index
      %swap3A_107 = tpu.vector_load %arg8[%swap3A_105, %swap3A_106] {strides = array<i32>} : memref<64x768xf32, #tpu.memory_space<vmem>>, vector<16xf32>,
      tpu.vector_store %arg8[%swap3A_105, %swap3A_106], %mul3A_104 {strides = array<i32>} : memref<64x768xf32, #tpu.memory_space<vmem>>, vector<16xf32>,
      %get3A_108 = arith.index_cast %scan3A_37 : i32 to index
      %get3A_109 = arith.constant 160 : index
      %get3A_110 = tpu.vector_load %arg8[%get3A_108, %get3A_109] {strides = array<i32>} : memref<64x768xf32, #tpu.memory_space<vmem>>, vector<16xf32>,
      %mul3A_111 = arith.mulf %get3A_110, %gather3A : vector<16xf32>
      %swap3A_112 = arith.index_cast %scan3A_37 : i32 to index
      %swap3A_113 = arith.constant 160 : index
      %swap3A_114 = tpu.vector_load %arg8[%swap3A_112, %swap3A_113] {strides = array<i32>} : memref<64x768xf32, #tpu.memory_space<vmem>>, vector<16xf32>,
      tpu.vector_store %arg8[%swap3A_112, %swap3A_113], %mul3A_111 {strides = array<i32>} : memref<64x768xf32, #tpu.memory_space<vmem>>, vector<16xf32>,
      %get3A_115 = arith.index_cast %scan3A_37 : i32 to index
      %get3A_116 = arith.constant 176 : index
      %get3A_117 = tpu.vector_load %arg8[%get3A_115, %get3A_116] {strides = array<i32>} : memref<64x768xf32, #tpu.memory_space<vmem>>, vector<16xf32>,
      %mul3A_118 = arith.mulf %get3A_117, %gather3A : vector<16xf32>
      %swap3A_119 = arith.index_cast %scan3A_37 : i32 to index
      %swap3A_120 = arith.constant 176 : index
      %swap3A_121 = tpu.vector_load %arg8[%swap3A_119, %swap3A_120] {strides = array<i32>} : memref<64x768xf32, #tpu.memory_space<vmem>>, vector<16xf32>,
      tpu.vector_store %arg8[%swap3A_119, %swap3A_120], %mul3A_118 {strides = array<i32>} : memref<64x768xf32, #tpu.memory_space<vmem>>, vector<16xf32>,
      %get3A_122 = arith.index_cast %scan3A_37 : i32 to index
      %get3A_123 = arith.constant 192 : index
      %get3A_124 = tpu.vector_load %arg8[%get3A_122, %get3A_123] {strides = array<i32>} : memref<64x768xf32, #tpu.memory_space<vmem>>, vector<16xf32>,
      %mul3A_125 = arith.mulf %get3A_124, %gather3A : vector<16xf32>
      %swap3A_126 = arith.index_cast %scan3A_37 : i32 to index
      %swap3A_127 = arith.constant 192 : index
      %swap3A_128 = tpu.vector_load %arg8[%swap3A_126, %swap3A_127] {strides = array<i32>} : memref<64x768xf32, #tpu.memory_space<vmem>>, vector<16xf32>,
      tpu.vector_store %arg8[%swap3A_126, %swap3A_127], %mul3A_125 {strides = array<i32>} : memref<64x768xf32, #tpu.memory_space<vmem>>, vector<16xf32>,
      %get3A_129 = arith.index_cast %scan3A_37 : i32 to index
      %get3A_130 = arith.constant 208 : index
      %get3A_131 = tpu.vector_load %arg8[%get3A_129, %get3A_130] {strides = array<i32>} : memref<64x768xf32, #tpu.memory_space<vmem>>, vector<16xf32>,
      %mul3A_132 = arith.mulf %get3A_131, %gather3A : vector<16xf32>
      %swap3A_133 = arith.index_cast %scan3A_37 : i32 to index
      %swap3A_134 = arith.constant 208 : index
      %swap3A_135 = tpu.vector_load %arg8[%swap3A_133, %swap3A_134] {strides = array<i32>} : memref<64x768xf32, #tpu.memory_space<vmem>>, vector<16xf32>,
      tpu.vector_store %arg8[%swap3A_133, %swap3A_134], %mul3A_132 {strides = array<i32>} : memref<64x768xf32, #tpu.memory_space<vmem>>, vector<16xf32>,
      %get3A_136 = arith.index_cast %scan3A_37 : i32 to index
      %get3A_137 = arith.constant 224 : index
      %get3A_138 = tpu.vector_load %arg8[%get3A_136, %get3A_137] {strides = array<i32>} : memref<64x768xf32, #tpu.memory_space<vmem>>, vector<16xf32>,
      %mul3A_139 = arith.mulf %get3A_138, %gather3A : vector<16xf32>
      %swap3A_140 = arith.index_cast %scan3A_37 : i32 to index
      %swap3A_141 = arith.constant 224 : index
      %swap3A_142 = tpu.vector_load %arg8[%swap3A_140, %swap3A_141] {strides = array<i32>} : memref<64x768xf32, #tpu.memory_space<vmem>>, vector<16xf32>,
      tpu.vector_store %arg8[%swap3A_140, %swap3A_141], %mul3A_139 {strides = array<i32>} : memref<64x768xf32, #tpu.memory_space<vmem>>, vector<16xf32>,
      %get3A_143 = arith.index_cast %scan3A_37 : i32 to index
      %get3A_144 = arith.constant 240 : index
      %get3A_145 = tpu.vector_load %arg8[%get3A_143, %get3A_144] {strides = array<i32>} : memref<64x768xf32, #tpu.memory_space<vmem>>, vector<16xf32>,
      %mul3A_146 = arith.mulf %get3A_145, %gather3A : vector<16xf32>
      %swap3A_147 = arith.index_cast %scan3A_37 : i32 to index
      %swap3A_148 = arith.constant 240 : index
      %swap3A_149 = tpu.vector_load %arg8[%swap3A_147, %swap3A_148] {strides = array<i32>} : memref<64x768xf32, #tpu.memory_space<vmem>>, vector<16xf32>,
      tpu.vector_store %arg8[%swap3A_147, %swap3A_148], %mul3A_146 {strides = array<i32>} : memref<64x768xf32, #tpu.memory_space<vmem>>, vector<16xf32>,
      %get3A_150 = arith.index_cast %scan3A_37 : i32 to index
      %get3A_151 = arith.constant 256 : index
      %get3A_152 = tpu.vector_load %arg8[%get3A_150, %get3A_151] {strides = array<i32>} : memref<64x768xf32, #tpu.memory_space<vmem>>, vector<16xf32>,
      %mul3A_153 = arith.mulf %get3A_152, %gather3A : vector<16xf32>
      %swap3A_154 = arith.index_cast %scan3A_37 : i32 to index
      %swap3A_155 = arith.constant 256 : index
      %swap3A_156 = tpu.vector_load %arg8[%swap3A_154, %swap3A_155] {strides = array<i32>} : memref<64x768xf32, #tpu.memory_space<vmem>>, vector<16xf32>,
      tpu.vector_store %arg8[%swap3A_154, %swap3A_155], %mul3A_153 {strides = array<i32>} : memref<64x768xf32, #tpu.memory_space<vmem>>, vector<16xf32>,
      %get3A_157 = arith.index_cast %scan3A_37 : i32 to index
      %get3A_158 = arith.constant 272 : index
      %get3A_159 = tpu.vector_load %arg8[%get3A_157, %get3A_158] {strides = array<i32>} : memref<64x768xf32, #tpu.memory_space<vmem>>, vector<16xf32>,
      %mul3A_160 = arith.mulf %get3A_159, %gather3A : vector<16xf32>
      %swap3A_161 = arith.index_cast %scan3A_37 : i32 to index
      %swap3A_162 = arith.constant 272 : index
      %swap3A_163 = tpu.vector_load %arg8[%swap3A_161, %swap3A_162] {strides = array<i32>} : memref<64x768xf32, #tpu.memory_space<vmem>>, vector<16xf32>,
      tpu.vector_store %arg8[%swap3A_161, %swap3A_162], %mul3A_160 {strides = array<i32>} : memref<64x768xf32, #tpu.memory_space<vmem>>, vector<16xf32>,
      %get3A_164 = arith.index_cast %scan3A_37 : i32 to index
      %get3A_165 = arith.constant 288 : index
      %get3A_166 = tpu.vector_load %arg8[%get3A_164, %get3A_165] {strides = array<i32>} : memref<64x768xf32, #tpu.memory_space<vmem>>, vector<16xf32>,
      %mul3A_167 = arith.mulf %get3A_166, %gather3A : vector<16xf32>
      %swap3A_168 = arith.index_cast %scan3A_37 : i32 to index
      %swap3A_169 = arith.constant 288 : index
      %swap3A_170 = tpu.vector_load %arg8[%swap3A_168, %swap3A_169] {strides = array<i32>} : memref<64x768xf32, #tpu.memory_space<vmem>>, vector<16xf32>,
      tpu.vector_store %arg8[%swap3A_168, %swap3A_169], %mul3A_167 {strides = array<i32>} : memref<64x768xf32, #tpu.memory_space<vmem>>, vector<16xf32>,
      %get3A_171 = arith.index_cast %scan3A_37 : i32 to index
      %get3A_172 = arith.constant 304 : index
      %get3A_173 = tpu.vector_load %arg8[%get3A_171, %get3A_172] {strides = array<i32>} : memref<64x768xf32, #tpu.memory_space<vmem>>, vector<16xf32>,
      %mul3A_174 = arith.mulf %get3A_173, %gather3A : vector<16xf32>
      %swap3A_175 = arith.index_cast %scan3A_37 : i32 to index
      %swap3A_176 = arith.constant 304 : index
      %swap3A_177 = tpu.vector_load %arg8[%swap3A_175, %swap3A_176] {strides = array<i32>} : memref<64x768xf32, #tpu.memory_space<vmem>>, vector<16xf32>,
      tpu.vector_store %arg8[%swap3A_175, %swap3A_176], %mul3A_174 {strides = array<i32>} : memref<64x768xf32, #tpu.memory_space<vmem>>, vector<16xf32>,
      %get3A_178 = arith.index_cast %scan3A_37 : i32 to index
      %get3A_179 = arith.constant 320 : index
      %get3A_180 = tpu.vector_load %arg8[%get3A_178, %get3A_179] {strides = array<i32>} : memref<64x768xf32, #tpu.memory_space<vmem>>, vector<16xf32>,
      %mul3A_181 = arith.mulf %get3A_180, %gather3A : vector<16xf32>
      %swap3A_182 = arith.index_cast %scan3A_37 : i32 to index
      %swap3A_183 = arith.constant 320 : index
      %swap3A_184 = tpu.vector_load %arg8[%swap3A_182, %swap3A_183] {strides = array<i32>} : memref<64x768xf32, #tpu.memory_space<vmem>>, vector<16xf32>,
      tpu.vector_store %arg8[%swap3A_182, %swap3A_183], %mul3A_181 {strides = array<i32>} : memref<64x768xf32, #tpu.memory_space<vmem>>, vector<16xf32>,
      %get3A_185 = arith.index_cast %scan3A_37 : i32 to index
      %get3A_186 = arith.constant 336 : index
      %get3A_187 = tpu.vector_load %arg8[%get3A_185, %get3A_186] {strides = array<i32>} : memref<64x768xf32, #tpu.memory_space<vmem>>, vector<16xf32>,
      %mul3A_188 = arith.mulf %get3A_187, %gather3A : vector<16xf32>
      %swap3A_189 = arith.index_cast %scan3A_37 : i32 to index
      %swap3A_190 = arith.constant 336 : index
      %swap3A_191 = tpu.vector_load %arg8[%swap3A_189, %swap3A_190] {strides = array<i32>} : memref<64x768xf32, #tpu.memory_space<vmem>>, vector<16xf32>,
      tpu.vector_store %arg8[%swap3A_189, %swap3A_190], %mul3A_188 {strides = array<i32>} : memref<64x768xf32, #tpu.memory_space<vmem>>, vector<16xf32>,
      %get3A_192 = arith.index_cast %scan3A_37 : i32 to index
      %get3A_193 = arith.constant 352 : index
      %get3A_194 = tpu.vector_load %arg8[%get3A_192, %get3A_193] {strides = array<i32>} : memref<64x768xf32, #tpu.memory_space<vmem>>, vector<16xf32>,
      %mul3A_195 = arith.mulf %get3A_194, %gather3A : vector<16xf32>
      %swap3A_196 = arith.index_cast %scan3A_37 : i32 to index
      %swap3A_197 = arith.constant 352 : index
      %swap3A_198 = tpu.vector_load %arg8[%swap3A_196, %swap3A_197] {strides = array<i32>} : memref<64x768xf32, #tpu.memory_space<vmem>>, vector<16xf32>,
      tpu.vector_store %arg8[%swap3A_196, %swap3A_197], %mul3A_195 {strides = array<i32>} : memref<64x768xf32, #tpu.memory_space<vmem>>, vector<16xf32>,
      %get3A_199 = arith.index_cast %scan3A_37 : i32 to index
      %get3A_200 = arith.constant 368 : index
      %get3A_201 = tpu.vector_load %arg8[%get3A_199, %get3A_200] {strides = array<i32>} : memref<64x768xf32, #tpu.memory_space<vmem>>, vector<16xf32>,
      %mul3A_202 = arith.mulf %get3A_201, %gather3A : vector<16xf32>
      %swap3A_203 = arith.index_cast %scan3A_37 : i32 to index
      %swap3A_204 = arith.constant 368 : index
      %swap3A_205 = tpu.vector_load %arg8[%swap3A_203, %swap3A_204] {strides = array<i32>} : memref<64x768xf32, #tpu.memory_space<vmem>>, vector<16xf32>,
      tpu.vector_store %arg8[%swap3A_203, %swap3A_204], %mul3A_202 {strides = array<i32>} : memref<64x768xf32, #tpu.memory_space<vmem>>, vector<16xf32>,
      %get3A_206 = arith.index_cast %scan3A_37 : i32 to index
      %get3A_207 = arith.constant 384 : index
      %get3A_208 = tpu.vector_load %arg8[%get3A_206, %get3A_207] {strides = array<i32>} : memref<64x768xf32, #tpu.memory_space<vmem>>, vector<16xf32>,
      %mul3A_209 = arith.mulf %get3A_208, %gather3A : vector<16xf32>
      %swap3A_210 = arith.index_cast %scan3A_37 : i32 to index
      %swap3A_211 = arith.constant 384 : index
      %swap3A_212 = tpu.vector_load %arg8[%swap3A_210, %swap3A_211] {strides = array<i32>} : memref<64x768xf32, #tpu.memory_space<vmem>>, vector<16xf32>,
      tpu.vector_store %arg8[%swap3A_210, %swap3A_211], %mul3A_209 {strides = array<i32>} : memref<64x768xf32, #tpu.memory_space<vmem>>, vector<16xf32>,
      %get3A_213 = arith.index_cast %scan3A_37 : i32 to index
      %get3A_214 = arith.constant 400 : index
      %get3A_215 = tpu.vector_load %arg8[%get3A_213, %get3A_214] {strides = array<i32>} : memref<64x768xf32, #tpu.memory_space<vmem>>, vector<16xf32>,
      %mul3A_216 = arith.mulf %get3A_215, %gather3A : vector<16xf32>
      %swap3A_217 = arith.index_cast %scan3A_37 : i32 to index
      %swap3A_218 = arith.constant 400 : index
      %swap3A_219 = tpu.vector_load %arg8[%swap3A_217, %swap3A_218] {strides = array<i32>} : memref<64x768xf32, #tpu.memory_space<vmem>>, vector<16xf32>,
      tpu.vector_store %arg8[%swap3A_217, %swap3A_218], %mul3A_216 {strides = array<i32>} : memref<64x768xf32, #tpu.memory_space<vmem>>, vector<16xf32>,
      %get3A_220 = arith.index_cast %scan3A_37 : i32 to index
      %get3A_221 = arith.constant 416 : index
      %get3A_222 = tpu.vector_load %arg8[%get3A_220, %get3A_221] {strides = array<i32>} : memref<64x768xf32, #tpu.memory_space<vmem>>, vector<16xf32>,
      %mul3A_223 = arith.mulf %get3A_222, %gather3A : vector<16xf32>
      %swap3A_224 = arith.index_cast %scan3A_37 : i32 to index
      %swap3A_225 = arith.constant 416 : index
      %swap3A_226 = tpu.vector_load %arg8[%swap3A_224, %swap3A_225] {strides = array<i32>} : memref<64x768xf32, #tpu.memory_space<vmem>>, vector<16xf32>,
      tpu.vector_store %arg8[%swap3A_224, %swap3A_225], %mul3A_223 {strides = array<i32>} : memref<64x768xf32, #tpu.memory_space<vmem>>, vector<16xf32>,
      %get3A_227 = arith.index_cast %scan3A_37 : i32 to index
      %get3A_228 = arith.constant 432 : index
      %get3A_229 = tpu.vector_load %arg8[%get3A_227, %get3A_228] {strides = array<i32>} : memref<64x768xf32, #tpu.memory_space<vmem>>, vector<16xf32>,
      %mul3A_230 = arith.mulf %get3A_229, %gather3A : vector<16xf32>
      %swap3A_231 = arith.index_cast %scan3A_37 : i32 to index
      %swap3A_232 = arith.constant 432 : index
      %swap3A_233 = tpu.vector_load %arg8[%swap3A_231, %swap3A_232] {strides = array<i32>} : memref<64x768xf32, #tpu.memory_space<vmem>>, vector<16xf32>,
      tpu.vector_store %arg8[%swap3A_231, %swap3A_232], %mul3A_230 {strides = array<i32>} : memref<64x768xf32, #tpu.memory_space<vmem>>, vector<16xf32>,
      %get3A_234 = arith.index_cast %scan3A_37 : i32 to index
      %get3A_235 = arith.constant 448 : index
      %get3A_236 = tpu.vector_load %arg8[%get3A_234, %get3A_235] {strides = array<i32>} : memref<64x768xf32, #tpu.memory_space<vmem>>, vector<16xf32>,
      %mul3A_237 = arith.mulf %get3A_236, %gather3A : vector<16xf32>
      %swap3A_238 = arith.index_cast %scan3A_37 : i32 to index
      %swap3A_239 = arith.constant 448 : index
      %swap3A_240 = tpu.vector_load %arg8[%swap3A_238, %swap3A_239] {strides = array<i32>} : memref<64x768xf32, #tpu.memory_space<vmem>>, vector<16xf32>,
      tpu.vector_store %arg8[%swap3A_238, %swap3A_239], %mul3A_237 {strides = array<i32>} : memref<64x768xf32, #tpu.memory_space<vmem>>, vector<16xf32>,
      %get3A_241 = arith.index_cast %scan3A_37 : i32 to index
      %get3A_242 = arith.constant 464 : index
      %get3A_243 = tpu.vector_load %arg8[%get3A_241, %get3A_242] {strides = array<i32>} : memref<64x768xf32, #tpu.memory_space<vmem>>, vector<16xf32>,
      %mul3A_244 = arith.mulf %get3A_243, %gather3A : vector<16xf32>
      %swap3A_245 = arith.index_cast %scan3A_37 : i32 to index
      %swap3A_246 = arith.constant 464 : index
      %swap3A_247 = tpu.vector_load %arg8[%swap3A_245, %swap3A_246] {strides = array<i32>} : memref<64x768xf32, #tpu.memory_space<vmem>>, vector<16xf32>,
      tpu.vector_store %arg8[%swap3A_245, %swap3A_246], %mul3A_244 {strides = array<i32>} : memref<64x768xf32, #tpu.memory_space<vmem>>, vector<16xf32>,
      %get3A_248 = arith.index_cast %scan3A_37 : i32 to index
      %get3A_249 = arith.constant 480 : index
      %get3A_250 = tpu.vector_load %arg8[%get3A_248, %get3A_249] {strides = array<i32>} : memref<64x768xf32, #tpu.memory_space<vmem>>, vector<16xf32>,
      %mul3A_251 = arith.mulf %get3A_250, %gather3A : vector<16xf32>
      %swap3A_252 = arith.index_cast %scan3A_37 : i32 to index
      %swap3A_253 = arith.constant 480 : index
      %swap3A_254 = tpu.vector_load %arg8[%swap3A_252, %swap3A_253] {strides = array<i32>} : memref<64x768xf32, #tpu.memory_space<vmem>>, vector<16xf32>,
      tpu.vector_store %arg8[%swap3A_252, %swap3A_253], %mul3A_251 {strides = array<i32>} : memref<64x768xf32, #tpu.memory_space<vmem>>, vector<16xf32>,
      %get3A_255 = arith.index_cast %scan3A_37 : i32 to index
      %get3A_256 = arith.constant 496 : index
      %get3A_257 = tpu.vector_load %arg8[%get3A_255, %get3A_256] {strides = array<i32>} : memref<64x768xf32, #tpu.memory_space<vmem>>, vector<16xf32>,
      %mul3A_258 = arith.mulf %get3A_257, %gather3A : vector<16xf32>
      %swap3A_259 = arith.index_cast %scan3A_37 : i32 to index
      %swap3A_260 = arith.constant 496 : index
      %swap3A_261 = tpu.vector_load %arg8[%swap3A_259, %swap3A_260] {strides = array<i32>} : memref<64x768xf32, #tpu.memory_space<vmem>>, vector<16xf32>,
      tpu.vector_store %arg8[%swap3A_259, %swap3A_260], %mul3A_258 {strides = array<i32>} : memref<64x768xf32, #tpu.memory_space<vmem>>, vector<16xf32>,
      %get3A_262 = arith.index_cast %scan3A_37 : i32 to index
      %get3A_263 = arith.constant 512 : index
      %get3A_264 = tpu.vector_load %arg8[%get3A_262, %get3A_263] {strides = array<i32>} : memref<64x768xf32, #tpu.memory_space<vmem>>, vector<16xf32>,
      %mul3A_265 = arith.mulf %get3A_264, %gather3A : vector<16xf32>
      %swap3A_266 = arith.index_cast %scan3A_37 : i32 to index
      %swap3A_267 = arith.constant 512 : index
      %swap3A_268 = tpu.vector_load %arg8[%swap3A_266, %swap3A_267] {strides = array<i32>} : memref<64x768xf32, #tpu.memory_space<vmem>>, vector<16xf32>,
      tpu.vector_store %arg8[%swap3A_266, %swap3A_267], %mul3A_265 {strides = array<i32>} : memref<64x768xf32, #tpu.memory_space<vmem>>, vector<16xf32>,
      %get3A_269 = arith.index_cast %scan3A_37 : i32 to index
      %get3A_270 = arith.constant 528 : index
      %get3A_271 = tpu.vector_load %arg8[%get3A_269, %get3A_270] {strides = array<i32>} : memref<64x768xf32, #tpu.memory_space<vmem>>, vector<16xf32>,
      %mul3A_272 = arith.mulf %get3A_271, %gather3A : vector<16xf32>
      %swap3A_273 = arith.index_cast %scan3A_37 : i32 to index
      %swap3A_274 = arith.constant 528 : index
      %swap3A_275 = tpu.vector_load %arg8[%swap3A_273, %swap3A_274] {strides = array<i32>} : memref<64x768xf32, #tpu.memory_space<vmem>>, vector<16xf32>,
      tpu.vector_store %arg8[%swap3A_273, %swap3A_274], %mul3A_272 {strides = array<i32>} : memref<64x768xf32, #tpu.memory_space<vmem>>, vector<16xf32>,
      %get3A_276 = arith.index_cast %scan3A_37 : i32 to index
      %get3A_277 = arith.constant 544 : index
      %get3A_278 = tpu.vector_load %arg8[%get3A_276, %get3A_277] {strides = array<i32>} : memref<64x768xf32, #tpu.memory_space<vmem>>, vector<16xf32>,
      %mul3A_279 = arith.mulf %get3A_278, %gather3A : vector<16xf32>
      %swap3A_280 = arith.index_cast %scan3A_37 : i32 to index
      %swap3A_281 = arith.constant 544 : index
      %swap3A_282 = tpu.vector_load %arg8[%swap3A_280, %swap3A_281] {strides = array<i32>} : memref<64x768xf32, #tpu.memory_space<vmem>>, vector<16xf32>,
      tpu.vector_store %arg8[%swap3A_280, %swap3A_281], %mul3A_279 {strides = array<i32>} : memref<64x768xf32, #tpu.memory_space<vmem>>, vector<16xf32>,
      %get3A_283 = arith.index_cast %scan3A_37 : i32 to index
      %get3A_284 = arith.constant 560 : index
      %get3A_285 = tpu.vector_load %arg8[%get3A_283, %get3A_284] {strides = array<i32>} : memref<64x768xf32, #tpu.memory_space<vmem>>, vector<16xf32>,
      %mul3A_286 = arith.mulf %get3A_285, %gather3A : vector<16xf32>
      %swap3A_287 = arith.index_cast %scan3A_37 : i32 to index
      %swap3A_288 = arith.constant 560 : index
      %swap3A_289 = tpu.vector_load %arg8[%swap3A_287, %swap3A_288] {strides = array<i32>} : memref<64x768xf32, #tpu.memory_space<vmem>>, vector<16xf32>,
      tpu.vector_store %arg8[%swap3A_287, %swap3A_288], %mul3A_286 {strides = array<i32>} : memref<64x768xf32, #tpu.memory_space<vmem>>, vector<16xf32>,
      %get3A_290 = arith.index_cast %scan3A_37 : i32 to index
      %get3A_291 = arith.constant 576 : index
      %get3A_292 = tpu.vector_load %arg8[%get3A_290, %get3A_291] {strides = array<i32>} : memref<64x768xf32, #tpu.memory_space<vmem>>, vector<16xf32>,
      %mul3A_293 = arith.mulf %get3A_292, %gather3A : vector<16xf32>
      %swap3A_294 = arith.index_cast %scan3A_37 : i32 to index
      %swap3A_295 = arith.constant 576 : index
      %swap3A_296 = tpu.vector_load %arg8[%swap3A_294, %swap3A_295] {strides = array<i32>} : memref<64x768xf32, #tpu.memory_space<vmem>>, vector<16xf32>,
      tpu.vector_store %arg8[%swap3A_294, %swap3A_295], %mul3A_293 {strides = array<i32>} : memref<64x768xf32, #tpu.memory_space<vmem>>, vector<16xf32>,
      %get3A_297 = arith.index_cast %scan3A_37 : i32 to index
      %get3A_298 = arith.constant 592 : index
      %get3A_299 = tpu.vector_load %arg8[%get3A_297, %get3A_298] {strides = array<i32>} : memref<64x768xf32, #tpu.memory_space<vmem>>, vector<16xf32>,
      %mul3A_300 = arith.mulf %get3A_299, %gather3A : vector<16xf32>
      %swap3A_301 = arith.index_cast %scan3A_37 : i32 to index
      %swap3A_302 = arith.constant 592 : index
      %swap3A_303 = tpu.vector_load %arg8[%swap3A_301, %swap3A_302] {strides = array<i32>} : memref<64x768xf32, #tpu.memory_space<vmem>>, vector<16xf32>,
      tpu.vector_store %arg8[%swap3A_301, %swap3A_302], %mul3A_300 {strides = array<i32>} : memref<64x768xf32, #tpu.memory_space<vmem>>, vector<16xf32>,
      %get3A_304 = arith.index_cast %scan3A_37 : i32 to index
      %get3A_305 = arith.constant 608 : index
      %get3A_306 = tpu.vector_load %arg8[%get3A_304, %get3A_305] {strides = array<i32>} : memref<64x768xf32, #tpu.memory_space<vmem>>, vector<16xf32>,
      %mul3A_307 = arith.mulf %get3A_306, %gather3A : vector<16xf32>
      %swap3A_308 = arith.index_cast %scan3A_37 : i32 to index
      %swap3A_309 = arith.constant 608 : index
      %swap3A_310 = tpu.vector_load %arg8[%swap3A_308, %swap3A_309] {strides = array<i32>} : memref<64x768xf32, #tpu.memory_space<vmem>>, vector<16xf32>,
      tpu.vector_store %arg8[%swap3A_308, %swap3A_309], %mul3A_307 {strides = array<i32>} : memref<64x768xf32, #tpu.memory_space<vmem>>, vector<16xf32>,
      %get3A_311 = arith.index_cast %scan3A_37 : i32 to index
      %get3A_312 = arith.constant 624 : index
      %get3A_313 = tpu.vector_load %arg8[%get3A_311, %get3A_312] {strides = array<i32>} : memref<64x768xf32, #tpu.memory_space<vmem>>, vector<16xf32>,
      %mul3A_314 = arith.mulf %get3A_313, %gather3A : vector<16xf32>
      %swap3A_315 = arith.index_cast %scan3A_37 : i32 to index
      %swap3A_316 = arith.constant 624 : index
      %swap3A_317 = tpu.vector_load %arg8[%swap3A_315, %swap3A_316] {strides = array<i32>} : memref<64x768xf32, #tpu.memory_space<vmem>>, vector<16xf32>,
      tpu.vector_store %arg8[%swap3A_315, %swap3A_316], %mul3A_314 {strides = array<i32>} : memref<64x768xf32, #tpu.memory_space<vmem>>, vector<16xf32>,
      %get3A_318 = arith.index_cast %scan3A_37 : i32 to index
      %get3A_319 = arith.constant 640 : index
      %get3A_320 = tpu.vector_load %arg8[%get3A_318, %get3A_319] {strides = array<i32>} : memref<64x768xf32, #tpu.memory_space<vmem>>, vector<16xf32>,
      %mul3A_321 = arith.mulf %get3A_320, %gather3A : vector<16xf32>
      %swap3A_322 = arith.index_cast %scan3A_37 : i32 to index
      %swap3A_323 = arith.constant 640 : index
      %swap3A_324 = tpu.vector_load %arg8[%swap3A_322, %swap3A_323] {strides = array<i32>} : memref<64x768xf32, #tpu.memory_space<vmem>>, vector<16xf32>,
      tpu.vector_store %arg8[%swap3A_322, %swap3A_323], %mul3A_321 {strides = array<i32>} : memref<64x768xf32, #tpu.memory_space<vmem>>, vector<16xf32>,
      %get3A_325 = arith.index_cast %scan3A_37 : i32 to index
      %get3A_326 = arith.constant 656 : index
      %get3A_327 = tpu.vector_load %arg8[%get3A_325, %get3A_326] {strides = array<i32>} : memref<64x768xf32, #tpu.memory_space<vmem>>, vector<16xf32>,
      %mul3A_328 = arith.mulf %get3A_327, %gather3A : vector<16xf32>
      %swap3A_329 = arith.index_cast %scan3A_37 : i32 to index
      %swap3A_330 = arith.constant 656 : index
      %swap3A_331 = tpu.vector_load %arg8[%swap3A_329, %swap3A_330] {strides = array<i32>} : memref<64x768xf32, #tpu.memory_space<vmem>>, vector<16xf32>,
      tpu.vector_store %arg8[%swap3A_329, %swap3A_330], %mul3A_328 {strides = array<i32>} : memref<64x768xf32, #tpu.memory_space<vmem>>, vector<16xf32>,
      %get3A_332 = arith.index_cast %scan3A_37 : i32 to index
      %get3A_333 = arith.constant 672 : index
      %get3A_334 = tpu.vector_load %arg8[%get3A_332, %get3A_333] {strides = array<i32>} : memref<64x768xf32, #tpu.memory_space<vmem>>, vector<16xf32>,
      %mul3A_335 = arith.mulf %get3A_334, %gather3A : vector<16xf32>
      %swap3A_336 = arith.index_cast %scan3A_37 : i32 to index
      %swap3A_337 = arith.constant 672 : index
      %swap3A_338 = tpu.vector_load %arg8[%swap3A_336, %swap3A_337] {strides = array<i32>} : memref<64x768xf32, #tpu.memory_space<vmem>>, vector<16xf32>,
      tpu.vector_store %arg8[%swap3A_336, %swap3A_337], %mul3A_335 {strides = array<i32>} : memref<64x768xf32, #tpu.memory_space<vmem>>, vector<16xf32>,
      %get3A_339 = arith.index_cast %scan3A_37 : i32 to index
      %get3A_340 = arith.constant 688 : index
      %get3A_341 = tpu.vector_load %arg8[%get3A_339, %get3A_340] {strides = array<i32>} : memref<64x768xf32, #tpu.memory_space<vmem>>, vector<16xf32>,
      %mul3A_342 = arith.mulf %get3A_341, %gather3A : vector<16xf32>
      %swap3A_343 = arith.index_cast %scan3A_37 : i32 to index
      %swap3A_344 = arith.constant 688 : index
      %swap3A_345 = tpu.vector_load %arg8[%swap3A_343, %swap3A_344] {strides = array<i32>} : memref<64x768xf32, #tpu.memory_space<vmem>>, vector<16xf32>,
      tpu.vector_store %arg8[%swap3A_343, %swap3A_344], %mul3A_342 {strides = array<i32>} : memref<64x768xf32, #tpu.memory_space<vmem>>, vector<16xf32>,
      %get3A_346 = arith.index_cast %scan3A_37 : i32 to index
      %get3A_347 = arith.constant 704 : index
      %get3A_348 = tpu.vector_load %arg8[%get3A_346, %get3A_347] {strides = array<i32>} : memref<64x768xf32, #tpu.memory_space<vmem>>, vector<16xf32>,
      %mul3A_349 = arith.mulf %get3A_348, %gather3A : vector<16xf32>
      %swap3A_350 = arith.index_cast %scan3A_37 : i32 to index
      %swap3A_351 = arith.constant 704 : index
      %swap3A_352 = tpu.vector_load %arg8[%swap3A_350, %swap3A_351] {strides = array<i32>} : memref<64x768xf32, #tpu.memory_space<vmem>>, vector<16xf32>,
      tpu.vector_store %arg8[%swap3A_350, %swap3A_351], %mul3A_349 {strides = array<i32>} : memref<64x768xf32, #tpu.memory_space<vmem>>, vector<16xf32>,
      %get3A_353 = arith.index_cast %scan3A_37 : i32 to index
      %get3A_354 = arith.constant 720 : index
      %get3A_355 = tpu.vector_load %arg8[%get3A_353, %get3A_354] {strides = array<i32>} : memref<64x768xf32, #tpu.memory_space<vmem>>, vector<16xf32>,
      %mul3A_356 = arith.mulf %get3A_355, %gather3A : vector<16xf32>
      %swap3A_357 = arith.index_cast %scan3A_37 : i32 to index
      %swap3A_358 = arith.constant 720 : index
      %swap3A_359 = tpu.vector_load %arg8[%swap3A_357, %swap3A_358] {strides = array<i32>} : memref<64x768xf32, #tpu.memory_space<vmem>>, vector<16xf32>,
      tpu.vector_store %arg8[%swap3A_357, %swap3A_358], %mul3A_356 {strides = array<i32>} : memref<64x768xf32, #tpu.memory_space<vmem>>, vector<16xf32>,
      %get3A_360 = arith.index_cast %scan3A_37 : i32 to index
      %get3A_361 = arith.constant 736 : index
      %get3A_362 = tpu.vector_load %arg8[%get3A_360, %get3A_361] {strides = array<i32>} : memref<64x768xf32, #tpu.memory_space<vmem>>, vector<16xf32>,
      %mul3A_363 = arith.mulf %get3A_362, %gather3A : vector<16xf32>
      %swap3A_364 = arith.index_cast %scan3A_37 : i32 to index
      %swap3A_365 = arith.constant 736 : index
      %swap3A_366 = tpu.vector_load %arg8[%swap3A_364, %swap3A_365] {strides = array<i32>} : memref<64x768xf32, #tpu.memory_space<vmem>>, vector<16xf32>,
      tpu.vector_store %arg8[%swap3A_364, %swap3A_365], %mul3A_363 {strides = array<i32>} : memref<64x768xf32, #tpu.memory_space<vmem>>, vector<16xf32>,
      %get3A_367 = arith.index_cast %scan3A_37 : i32 to index
      %get3A_368 = arith.constant 752 : index
      %get3A_369 = tpu.vector_load %arg8[%get3A_367, %get3A_368] {strides = array<i32>} : memref<64x768xf32, #tpu.memory_space<vmem>>, vector<16xf32>,
      %mul3A_370 = arith.mulf %get3A_369, %gather3A : vector<16xf32>
      %swap3A_371 = arith.index_cast %scan3A_37 : i32 to index
      %swap3A_372 = arith.constant 752 : index
      %swap3A_373 = tpu.vector_load %arg8[%swap3A_371, %swap3A_372] {strides = array<i32>} : memref<64x768xf32, #tpu.memory_space<vmem>>, vector<16xf32>,
      tpu.vector_store %arg8[%swap3A_371, %swap3A_372], %mul3A_370 {strides = array<i32>} : memref<64x768xf32, #tpu.memory_space<vmem>>, vector<16xf32>,
    }
    %scan3A_36 = arith.constant 64 : i32
    "tpu.region"() ({
      %run_scoped3A = tpu.sem_alloc : memref<!tpu.dma_semaphore, #tpu.memory_space<semaphore_mem>>
      %dma_start3A_37 = arith.constant 0 : i32
      %dma_start3A_38 = tpu.memref_slice %arg5[%mul3A_2, %dma_start3A_37] : memref<2048x768xf32, #tpu.memory_space<hbm>> -> memref<64x768xf32, #tpu.memory_space<hbm>>
      %dma_start3A_39 = arith.constant 0 : i32
      %dma_start3A_40 = tpu.memref_slice %arg5[%mul3A_2, %dma_start3A_39] : memref<2048x768xf32, #tpu.memory_space<hbm>> -> memref<64x768xf32, #tpu.memory_space<hbm>>
      tpu.enqueue_dma source(%arg8 : memref<64x768xf32, #tpu.memory_space<vmem>>) target(%dma_start3A_40 : memref<64x768xf32, #tpu.memory_space<hbm>>) target_semaphore(%run_scoped3A : memref<!tpu.dma_semaphore, #tpu.memory_space<semaphore_mem>>)
      %dma_wait3A_41 = arith.constant 0 : i32
      %dma_wait3A_42 = tpu.memref_slice %arg5[%mul3A_2, %dma_wait3A_41] : memref<2048x768xf32, #tpu.memory_space<hbm>> -> memref<64x768xf32, #tpu.memory_space<hbm>>
      %dma_wait3A_43 = arith.constant 0 : i32
      %dma_wait3A_44 = tpu.memref_slice %arg5[%mul3A_2, %dma_wait3A_43] : memref<2048x768xf32, #tpu.memory_space<hbm>> -> memref<64x768xf32, #tpu.memory_space<hbm>>
      tpu.wait_dma2 semaphore(%run_scoped3A : memref<!tpu.dma_semaphore, #tpu.memory_space<semaphore_mem>>) src(%arg8 : memref<64x768xf32, #tpu.memory_space<vmem>>) dst(%dma_wait3A_44 : memref<64x768xf32, #tpu.memory_space<hbm>>)
      tpu.yield
    }) : () -> ()
    return
  }
}

#map = affine_map<(d0, d1) -> (0)>
#map1 = affine_map<(d0, d1) -> (0, 0)>
module attributes {stable_mosaic.version = 14 : i64} {
  func.func @_dispatch_body(%arg0: i32, %arg1: i32, %arg2: memref<2048xi32, #tpu.memory_space<hbm>>, %arg3: memref<2048x768xf32, #tpu.memory_space<hbm>>, %arg4: memref<4096x768xf32, #tpu.memory_space<hbm>>, %arg5: memref<2048xi32, #tpu.memory_space<vmem>>, %arg6: memref<128xi32, #tpu.memory_space<vmem>>, %arg7: memref<128x768xf32, #tpu.memory_space<vmem>>, %arg8: memref<!tpu.dma_semaphore, #tpu.memory_space<semaphore_mem>>) attributes {dimension_semantics = [#tpu.dimension_semantics<core_parallel>, #tpu.dimension_semantics<subcore_parallel>], iteration_bounds = array<i64: 2, 16>, scalar_prefetch = 0 : i64, scratch_operands = 4 : i64, tpu.core_type = #tpu.core_type<sc_vector_subcore>, window_params = [{transform_indices = #map}, {transform_indices = #map1}, {transform_indices = #map1}]} {
    %mul3A = arith.constant 2 : i32
    %mul3A_0 = arith.muli %arg1, %mul3A : i32
    %add3A = arith.addi %mul3A_0, %arg0 : i32
    %mul3A_1 = arith.constant 128 : i32
    %mul3A_2 = arith.muli %add3A, %mul3A_1 : i32
    %add3A_3 = arith.constant 0 : i32
    %add3A_4 = arith.addi %add3A_3, %mul3A_2 : i32
    "tpu.region"() ({
      %run_scoped3A = tpu.sem_alloc : memref<!tpu.dma_semaphore, #tpu.memory_space<semaphore_mem>>
      tpu.enqueue_dma source(%arg2 : memref<2048xi32, #tpu.memory_space<hbm>>) target(%arg5 : memref<2048xi32, #tpu.memory_space<vmem>>) target_semaphore(%run_scoped3A : memref<!tpu.dma_semaphore, #tpu.memory_space<semaphore_mem>>)
      tpu.wait_dma2 semaphore(%run_scoped3A : memref<!tpu.dma_semaphore, #tpu.memory_space<semaphore_mem>>) src(%arg2 : memref<2048xi32, #tpu.memory_space<hbm>>) dst(%arg5 : memref<2048xi32, #tpu.memory_space<vmem>>)
      tpu.yield
    }) : () -> ()
    %mul3A_5 = arith.constant 128 : i32
    %mul3A_6 = arith.muli %add3A, %mul3A_5 : i32
    %and3A = arith.constant 2047 : i32
    %and3A_7 = arith.andi %mul3A_6, %and3A : i32
    %iota3A = tpu.iota {dimensions = array<i32: 0>} : vector<16xi32>
    %add3A_8 = arith.constant 0 : i32
    %add3A_9 = arith.addi %and3A_7, %add3A_8 : i32
    %add3A_10 = vector.broadcast %add3A_9 : i32 to vector<16xi32>
    %add3A_11 = arith.addi %iota3A, %add3A_10 : vector<16xi32>
    %swap3A = arith.constant 0 : index
    %swap3A_12 = tpu.vector_load %arg6[%swap3A] {strides = array<i32>} : memref<128xi32, #tpu.memory_space<vmem>>, vector<16xi32>,
    tpu.vector_store %arg6[%swap3A], %add3A_11 {strides = array<i32>} : memref<128xi32, #tpu.memory_space<vmem>>, vector<16xi32>,
    %iota3A_13 = tpu.iota {dimensions = array<i32: 0>} : vector<16xi32>
    %add3A_14 = arith.constant 16 : i32
    %add3A_15 = arith.addi %and3A_7, %add3A_14 : i32
    %add3A_16 = vector.broadcast %add3A_15 : i32 to vector<16xi32>
    %add3A_17 = arith.addi %iota3A_13, %add3A_16 : vector<16xi32>
    %swap3A_18 = arith.constant 16 : index
    %swap3A_19 = tpu.vector_load %arg6[%swap3A_18] {strides = array<i32>} : memref<128xi32, #tpu.memory_space<vmem>>, vector<16xi32>,
    tpu.vector_store %arg6[%swap3A_18], %add3A_17 {strides = array<i32>} : memref<128xi32, #tpu.memory_space<vmem>>, vector<16xi32>,
    %iota3A_20 = tpu.iota {dimensions = array<i32: 0>} : vector<16xi32>
    %add3A_21 = arith.constant 32 : i32
    %add3A_22 = arith.addi %and3A_7, %add3A_21 : i32
    %add3A_23 = vector.broadcast %add3A_22 : i32 to vector<16xi32>
    %add3A_24 = arith.addi %iota3A_20, %add3A_23 : vector<16xi32>
    %swap3A_25 = arith.constant 32 : index
    %swap3A_26 = tpu.vector_load %arg6[%swap3A_25] {strides = array<i32>} : memref<128xi32, #tpu.memory_space<vmem>>, vector<16xi32>,
    tpu.vector_store %arg6[%swap3A_25], %add3A_24 {strides = array<i32>} : memref<128xi32, #tpu.memory_space<vmem>>, vector<16xi32>,
    %iota3A_27 = tpu.iota {dimensions = array<i32: 0>} : vector<16xi32>
    %add3A_28 = arith.constant 48 : i32
    %add3A_29 = arith.addi %and3A_7, %add3A_28 : i32
    %add3A_30 = vector.broadcast %add3A_29 : i32 to vector<16xi32>
    %add3A_31 = arith.addi %iota3A_27, %add3A_30 : vector<16xi32>
    %swap3A_32 = arith.constant 48 : index
    %swap3A_33 = tpu.vector_load %arg6[%swap3A_32] {strides = array<i32>} : memref<128xi32, #tpu.memory_space<vmem>>, vector<16xi32>,
    tpu.vector_store %arg6[%swap3A_32], %add3A_31 {strides = array<i32>} : memref<128xi32, #tpu.memory_space<vmem>>, vector<16xi32>,
    %iota3A_34 = tpu.iota {dimensions = array<i32: 0>} : vector<16xi32>
    %add3A_35 = arith.constant 64 : i32
    %add3A_36 = arith.addi %and3A_7, %add3A_35 : i32
    %add3A_37 = vector.broadcast %add3A_36 : i32 to vector<16xi32>
    %add3A_38 = arith.addi %iota3A_34, %add3A_37 : vector<16xi32>
    %swap3A_39 = arith.constant 64 : index
    %swap3A_40 = tpu.vector_load %arg6[%swap3A_39] {strides = array<i32>} : memref<128xi32, #tpu.memory_space<vmem>>, vector<16xi32>,
    tpu.vector_store %arg6[%swap3A_39], %add3A_38 {strides = array<i32>} : memref<128xi32, #tpu.memory_space<vmem>>, vector<16xi32>,
    %iota3A_41 = tpu.iota {dimensions = array<i32: 0>} : vector<16xi32>
    %add3A_42 = arith.constant 80 : i32
    %add3A_43 = arith.addi %and3A_7, %add3A_42 : i32
    %add3A_44 = vector.broadcast %add3A_43 : i32 to vector<16xi32>
    %add3A_45 = arith.addi %iota3A_41, %add3A_44 : vector<16xi32>
    %swap3A_46 = arith.constant 80 : index
    %swap3A_47 = tpu.vector_load %arg6[%swap3A_46] {strides = array<i32>} : memref<128xi32, #tpu.memory_space<vmem>>, vector<16xi32>,
    tpu.vector_store %arg6[%swap3A_46], %add3A_45 {strides = array<i32>} : memref<128xi32, #tpu.memory_space<vmem>>, vector<16xi32>,
    %iota3A_48 = tpu.iota {dimensions = array<i32: 0>} : vector<16xi32>
    %add3A_49 = arith.constant 96 : i32
    %add3A_50 = arith.addi %and3A_7, %add3A_49 : i32
    %add3A_51 = vector.broadcast %add3A_50 : i32 to vector<16xi32>
    %add3A_52 = arith.addi %iota3A_48, %add3A_51 : vector<16xi32>
    %swap3A_53 = arith.constant 96 : index
    %swap3A_54 = tpu.vector_load %arg6[%swap3A_53] {strides = array<i32>} : memref<128xi32, #tpu.memory_space<vmem>>, vector<16xi32>,
    tpu.vector_store %arg6[%swap3A_53], %add3A_52 {strides = array<i32>} : memref<128xi32, #tpu.memory_space<vmem>>, vector<16xi32>,
    %iota3A_55 = tpu.iota {dimensions = array<i32: 0>} : vector<16xi32>
    %add3A_56 = arith.constant 112 : i32
    %add3A_57 = arith.addi %and3A_7, %add3A_56 : i32
    %add3A_58 = vector.broadcast %add3A_57 : i32 to vector<16xi32>
    %add3A_59 = arith.addi %iota3A_55, %add3A_58 : vector<16xi32>
    %swap3A_60 = arith.constant 112 : index
    %swap3A_61 = tpu.vector_load %arg6[%swap3A_60] {strides = array<i32>} : memref<128xi32, #tpu.memory_space<vmem>>, vector<16xi32>,
    tpu.vector_store %arg6[%swap3A_60], %add3A_59 {strides = array<i32>} : memref<128xi32, #tpu.memory_space<vmem>>, vector<16xi32>,
    %scan3A = arith.constant 0 : i32
    %scan3A_62 = arith.constant 0 : i32
    %scan3A_63 = arith.constant 128 : i32
    %scan3A_64 = arith.addi %scan3A_62, %scan3A_63 : i32
    %scan3A_65 = arith.constant 1 : i32
    scf.for %scan3A_73 = %scan3A_62 to %scan3A_64 step %scan3A_65  : i32 {
      %mul3A_74 = arith.constant 16 : i32
      %mul3A_75 = arith.muli %scan3A_73, %mul3A_74 : i32
      %get3A = arith.index_cast %mul3A_75 : i32 to index
      %get3A_76 = tpu.vector_load %arg5[%get3A] {strides = array<i32>} : memref<2048xi32, #tpu.memory_space<vmem>>, vector<16xi32>,
      %iota3A_77 = tpu.iota {dimensions = array<i32: 0>} : vector<16xi32>
      %mul3A_78 = arith.constant 16 : i32
      %mul3A_79 = arith.muli %scan3A_73, %mul3A_78 : i32
      %add3A_80 = vector.broadcast %mul3A_79 : i32 to vector<16xi32>
      %add3A_81 = arith.addi %iota3A_77, %add3A_80 : vector<16xi32>
      %ge3A = vector.broadcast %add3A_4 : i32 to vector<16xi32>
      %ge3A_82 = arith.cmpi sge, %get3A_76, %ge3A : vector<16xi32>
      %add3A_83 = arith.constant 128 : i32
      %add3A_84 = arith.addi %add3A_4, %add3A_83 : i32
      %lt3A = vector.broadcast %add3A_84 : i32 to vector<16xi32>
      %lt3A_85 = arith.cmpi slt, %get3A_76, %lt3A : vector<16xi32>
      %and3A_86 = arith.andi %ge3A_82, %lt3A_85 : vector<16xi1>
      %sub3A = vector.broadcast %add3A_4 : i32 to vector<16xi32>
      %sub3A_87 = arith.subi %get3A_76, %sub3A : vector<16xi32>
      tpu.vector_store_idx %arg6[%sub3A_87], %add3A_81 masked %and3A_86 : memref<128xi32, #tpu.memory_space<vmem>>[vector<16xi32>], vector<16xi32>, vector<16xi1>
    }
    %scan3A_66 = arith.constant 128 : i32
    %dma_start3A = arith.constant 0 : i32
    %dma_start3A_67 = arith.constant 0 : i32
    %dma_start3A_68 = tpu.memref_slice %arg3[%dma_start3A, %dma_start3A_67] : memref<2048x768xf32, #tpu.memory_space<hbm>> -> memref<2048x768xf32, #tpu.memory_space<hbm>>
    tpu.enqueue_indirect_dma source(%dma_start3A_68 : memref<2048x768xf32, #tpu.memory_space<hbm>>) target(%arg7 : memref<128x768xf32, #tpu.memory_space<vmem>>) offsets(%arg6 : memref<128xi32, #tpu.memory_space<vmem>>) semaphore(%arg8 : memref<!tpu.dma_semaphore, #tpu.memory_space<semaphore_mem>>)
    %dma_wait3A = arith.constant 0 : i32
    %dma_wait3A_69 = arith.constant 0 : i32
    %dma_wait3A_70 = tpu.memref_slice %arg3[%dma_wait3A, %dma_wait3A_69] : memref<2048x768xf32, #tpu.memory_space<hbm>> -> memref<2048x768xf32, #tpu.memory_space<hbm>>
    tpu.wait_indirect_dma semaphore(%arg8 : memref<!tpu.dma_semaphore, #tpu.memory_space<semaphore_mem>>) src(%dma_wait3A_70 : memref<2048x768xf32, #tpu.memory_space<hbm>>) dst(%arg7 : memref<128x768xf32, #tpu.memory_space<vmem>>)
    %mul3A_71 = arith.constant 128 : i32
    %mul3A_72 = arith.muli %add3A, %mul3A_71 : i32
    "tpu.region"() ({
      %run_scoped3A = tpu.sem_alloc : memref<!tpu.dma_semaphore, #tpu.memory_space<semaphore_mem>>
      %dma_start3A_73 = arith.constant 0 : i32
      %dma_start3A_74 = tpu.memref_slice %arg4[%mul3A_72, %dma_start3A_73] : memref<4096x768xf32, #tpu.memory_space<hbm>> -> memref<128x768xf32, #tpu.memory_space<hbm>>
      %dma_start3A_75 = arith.constant 0 : i32
      %dma_start3A_76 = tpu.memref_slice %arg4[%mul3A_72, %dma_start3A_75] : memref<4096x768xf32, #tpu.memory_space<hbm>> -> memref<128x768xf32, #tpu.memory_space<hbm>>
      tpu.enqueue_dma source(%arg7 : memref<128x768xf32, #tpu.memory_space<vmem>>) target(%dma_start3A_76 : memref<128x768xf32, #tpu.memory_space<hbm>>) target_semaphore(%run_scoped3A : memref<!tpu.dma_semaphore, #tpu.memory_space<semaphore_mem>>)
      %dma_wait3A_77 = arith.constant 0 : i32
      %dma_wait3A_78 = tpu.memref_slice %arg4[%mul3A_72, %dma_wait3A_77] : memref<4096x768xf32, #tpu.memory_space<hbm>> -> memref<128x768xf32, #tpu.memory_space<hbm>>
      %dma_wait3A_79 = arith.constant 0 : i32
      %dma_wait3A_80 = tpu.memref_slice %arg4[%mul3A_72, %dma_wait3A_79] : memref<4096x768xf32, #tpu.memory_space<hbm>> -> memref<128x768xf32, #tpu.memory_space<hbm>>
      tpu.wait_dma2 semaphore(%run_scoped3A : memref<!tpu.dma_semaphore, #tpu.memory_space<semaphore_mem>>) src(%arg7 : memref<128x768xf32, #tpu.memory_space<vmem>>) dst(%dma_wait3A_80 : memref<128x768xf32, #tpu.memory_space<hbm>>)
      tpu.yield
    }) : () -> ()
    return
  }
}

module attributes {stable_mosaic.version = 14 : i64} {
  func.func @_mlp_half_body(%arg0: i32, %arg1: memref<128x768xf32, #tpu.memory_space<vmem>>, %arg2: memref<2x768x1024xf32, #tpu.memory_space<vmem>>, %arg3: memref<2x1024x768xf32, #tpu.memory_space<vmem>>, %arg4: memref<128x768xf32, #tpu.memory_space<vmem>>) attributes {dimension_semantics = [#tpu.dimension_semantics<arbitrary>], iteration_bounds = array<i64: 32>, scalar_prefetch = 0 : i64, scratch_operands = 0 : i64, tpu.core_type = #tpu.core_type<tc>, window_params = [{transform_indices = @transform_0, window_bounds = array<i64: 128, 768>}, {transform_indices = @transform_1, window_bounds = array<i64: 2, 768, 1024>}, {transform_indices = @transform_2, window_bounds = array<i64: 2, 1024, 768>}, {transform_indices = @transform_3, window_bounds = array<i64: 128, 768>}]} {
    %get3A = arith.constant 0 : index
    %get3A_0 = arith.constant 0 : index
    %get3A_1 = vector.load %arg1[%get3A, %get3A_0] : memref<128x768xf32, #tpu.memory_space<vmem>>, vector<64x768xf32>
    %get3A_2 = arith.constant 0 : index
    %get3A_3 = arith.constant 0 : index
    %get3A_4 = arith.constant 0 : index
    %get3A_5 = vector.load %arg2[%get3A_2, %get3A_3, %get3A_4] : memref<2x768x1024xf32, #tpu.memory_space<vmem>>, vector<1x768x1024xf32>
    %get3A_6 = vector.shape_cast %get3A_5 : vector<1x768x1024xf32> to vector<768x1024xf32>
    %dot_general3A = arith.constant dense<0.000000e+00> : vector<64x1024xf32>
    %dot_general3A_7 = tpu.matmul %get3A_1, %get3A_6, %dot_general3A {dimension_numbers = #tpu.dot_dimension_numbers<[1], [0], [0], [1], [0, 0, 1, 1], [], []>, transpose_lhs_hint = false} : vector<64x768xf32>, vector<768x1024xf32>, vector<64x1024xf32> -> vector<64x1024xf32>
    %max3A = arith.constant 0.000000e+00 : f32
    %max3A_8 = vector.broadcast %max3A : f32 to vector<64x1024xf32>
    %max3A_9 = arith.maximumf %dot_general3A_7, %max3A_8 : vector<64x1024xf32>
    %get3A_10 = arith.constant 0 : index
    %get3A_11 = arith.constant 0 : index
    %get3A_12 = arith.constant 0 : index
    %get3A_13 = vector.load %arg3[%get3A_10, %get3A_11, %get3A_12] : memref<2x1024x768xf32, #tpu.memory_space<vmem>>, vector<1x1024x768xf32>
    %get3A_14 = vector.shape_cast %get3A_13 : vector<1x1024x768xf32> to vector<1024x768xf32>
    %dot_general3A_15 = arith.constant dense<0.000000e+00> : vector<64x768xf32>
    %dot_general3A_16 = tpu.matmul %max3A_9, %get3A_14, %dot_general3A_15 {dimension_numbers = #tpu.dot_dimension_numbers<[1], [0], [0], [1], [0, 0, 1, 1], [], []>, transpose_lhs_hint = false} : vector<64x1024xf32>, vector<1024x768xf32>, vector<64x768xf32> -> vector<64x768xf32>
    %swap3A = arith.constant 0 : index
    %swap3A_17 = arith.constant 0 : index
    %swap3A_18 = vector.load %arg4[%swap3A, %swap3A_17] : memref<128x768xf32, #tpu.memory_space<vmem>>, vector<64x768xf32>
    tpu.vector_store %arg4[%swap3A, %swap3A_17], %dot_general3A_16 {strides = array<i32>} : memref<128x768xf32, #tpu.memory_space<vmem>>, vector<64x768xf32>,
    %get3A_19 = arith.constant 64 : index
    %get3A_20 = arith.constant 0 : index
    %get3A_21 = vector.load %arg1[%get3A_19, %get3A_20] : memref<128x768xf32, #tpu.memory_space<vmem>>, vector<64x768xf32>
    %get3A_22 = arith.constant 1 : index
    %get3A_23 = arith.constant 0 : index
    %get3A_24 = arith.constant 0 : index
    %get3A_25 = vector.load %arg2[%get3A_22, %get3A_23, %get3A_24] : memref<2x768x1024xf32, #tpu.memory_space<vmem>>, vector<1x768x1024xf32>
    %get3A_26 = vector.shape_cast %get3A_25 : vector<1x768x1024xf32> to vector<768x1024xf32>
    %dot_general3A_27 = arith.constant dense<0.000000e+00> : vector<64x1024xf32>
    %dot_general3A_28 = tpu.matmul %get3A_21, %get3A_26, %dot_general3A_27 {dimension_numbers = #tpu.dot_dimension_numbers<[1], [0], [0], [1], [0, 0, 1, 1], [], []>, transpose_lhs_hint = false} : vector<64x768xf32>, vector<768x1024xf32>, vector<64x1024xf32> -> vector<64x1024xf32>
    %max3A_29 = arith.constant 0.000000e+00 : f32
    %max3A_30 = vector.broadcast %max3A_29 : f32 to vector<64x1024xf32>
    %max3A_31 = arith.maximumf %dot_general3A_28, %max3A_30 : vector<64x1024xf32>
    %get3A_32 = arith.constant 1 : index
    %get3A_33 = arith.constant 0 : index
    %get3A_34 = arith.constant 0 : index
    %get3A_35 = vector.load %arg3[%get3A_32, %get3A_33, %get3A_34] : memref<2x1024x768xf32, #tpu.memory_space<vmem>>, vector<1x1024x768xf32>
    %get3A_36 = vector.shape_cast %get3A_35 : vector<1x1024x768xf32> to vector<1024x768xf32>
    %dot_general3A_37 = arith.constant dense<0.000000e+00> : vector<64x768xf32>
    %dot_general3A_38 = tpu.matmul %max3A_31, %get3A_36, %dot_general3A_37 {dimension_numbers = #tpu.dot_dimension_numbers<[1], [0], [0], [1], [0, 0, 1, 1], [], []>, transpose_lhs_hint = false} : vector<64x1024xf32>, vector<1024x768xf32>, vector<64x768xf32> -> vector<64x768xf32>
    %swap3A_39 = arith.constant 64 : index
    %swap3A_40 = arith.constant 0 : index
    %swap3A_41 = vector.load %arg4[%swap3A_39, %swap3A_40] : memref<128x768xf32, #tpu.memory_space<vmem>>, vector<64x768xf32>
    tpu.vector_store %arg4[%swap3A_39, %swap3A_40], %dot_general3A_38 {strides = array<i32>} : memref<128x768xf32, #tpu.memory_space<vmem>>, vector<64x768xf32>,
    return
  }
  func.func @transform_0(%arg0: i32) -> (i32, i32) {
    %c0_i32 = arith.constant 0 : i32
    %c0_i32_0 = arith.constant 0 : i32
    return %arg0, %c0_i32 : i32, i32
  }
  func.func @transform_1(%arg0: i32) -> (i32, i32, i32) {
    %add3A = arith.constant 0 : i32
    %add3A_0 = arith.addi %arg0, %add3A : i32
    %c0_i32 = arith.constant 0 : i32
    %c0_i32_1 = arith.constant 0 : i32
    %c0_i32_2 = arith.constant 0 : i32
    return %add3A_0, %c0_i32, %c0_i32_1 : i32, i32, i32
  }
  func.func @transform_2(%arg0: i32) -> (i32, i32, i32) {
    %add3A = arith.constant 0 : i32
    %add3A_0 = arith.addi %arg0, %add3A : i32
    %c0_i32 = arith.constant 0 : i32
    %c0_i32_1 = arith.constant 0 : i32
    %c0_i32_2 = arith.constant 0 : i32
    return %add3A_0, %c0_i32, %c0_i32_1 : i32, i32, i32
  }
  func.func @transform_3(%arg0: i32) -> (i32, i32) {
    %add3A = arith.constant 0 : i32
    %add3A_0 = arith.addi %arg0, %add3A : i32
    %c0_i32 = arith.constant 0 : i32
    %c0_i32_1 = arith.constant 0 : i32
    return %add3A_0, %c0_i32 : i32, i32
  }
}

module attributes {stable_mosaic.version = 14 : i64} {
  func.func @_router_body(%arg0: memref<2048x768xf32, #tpu.memory_space<vmem>>, %arg1: memref<768x64xf32, #tpu.memory_space<vmem>>, %arg2: memref<2048x1xi32, #tpu.memory_space<vmem>>, %arg3: memref<2048x1xf32, #tpu.memory_space<vmem>>) attributes {dimension_semantics = [], scalar_prefetch = 0 : i64, scratch_operands = 0 : i64, tpu.core_type = #tpu.core_type<tc>} {
    %get3A = arith.constant 0 : index
    %get3A_0 = arith.constant 0 : index
    %get3A_1 = vector.load %arg0[%get3A, %get3A_0] : memref<2048x768xf32, #tpu.memory_space<vmem>>, vector<2048x768xf32>
    %get3A_2 = arith.constant 0 : index
    %get3A_3 = arith.constant 0 : index
    %get3A_4 = vector.load %arg1[%get3A_2, %get3A_3] : memref<768x64xf32, #tpu.memory_space<vmem>>, vector<768x64xf32>
    %dot_general3A = arith.constant dense<0.000000e+00> : vector<2048x64xf32>
    %dot_general3A_5 = tpu.matmul %get3A_1, %get3A_4, %dot_general3A {dimension_numbers = #tpu.dot_dimension_numbers<[1], [0], [0], [1], [0, 0, 1, 1], [], []>, transpose_lhs_hint = false} : vector<2048x768xf32>, vector<768x64xf32>, vector<2048x64xf32> -> vector<2048x64xf32>
    %reduce_max3A = arith.constant dense<0xFF800000> : vector<2048xf32>
    %reduce_max3A_6 = vector.multi_reduction <maximumf>, %dot_general3A_5, %reduce_max3A [1] : vector<2048x64xf32> to vector<2048xf32>
    %broadcast_in_dim3A = vector.shape_cast %reduce_max3A_6 : vector<2048xf32> to vector<2048x1xf32>
    %sub3A = vector.broadcast %broadcast_in_dim3A : vector<2048x1xf32> to vector<2048x64xf32>
    %sub3A_7 = arith.subf %dot_general3A_5, %sub3A : vector<2048x64xf32>
    %exp3A = math.exp %sub3A_7 : vector<2048x64xf32>
    %reduce_sum3A = arith.constant dense<0.000000e+00> : vector<2048xf32>
    %reduce_sum3A_8 = vector.multi_reduction <add>, %exp3A, %reduce_sum3A [1] : vector<2048x64xf32> to vector<2048xf32>
    %broadcast_in_dim3A_9 = vector.shape_cast %reduce_sum3A_8 : vector<2048xf32> to vector<2048x1xf32>
    %div3A = vector.broadcast %broadcast_in_dim3A_9 : vector<2048x1xf32> to vector<2048x64xf32>
    %div3A_10 = arith.divf %exp3A, %div3A : vector<2048x64xf32>
    %reduce_max3A_11 = arith.constant dense<0xFF800000> : vector<2048xf32>
    %reduce_max3A_12 = vector.multi_reduction <maximumf>, %div3A_10, %reduce_max3A_11 [1] : vector<2048x64xf32> to vector<2048xf32>
    %broadcast_in_dim3A_13 = vector.shape_cast %reduce_max3A_12 : vector<2048xf32> to vector<2048x1xf32>
    %iota3A = tpu.iota {dimensions = array<i32: 1>} : vector<2048x64xi32>
    %eq3A = vector.broadcast %broadcast_in_dim3A_13 : vector<2048x1xf32> to vector<2048x64xf32>
    %eq3A_14 = arith.cmpf oeq, %div3A_10, %eq3A : vector<2048x64xf32>
    %jit3A = arith.constant 64 : i32
    %broadcast_in_dim3A_15 = vector.broadcast %jit3A : i32 to vector<2048x64xi32>
    %select_n3A = arith.select %eq3A_14, %iota3A, %broadcast_in_dim3A_15 : vector<2048x64xi1>, vector<2048x64xi32>
    %reduce_min3A = arith.constant dense<2147483647> : vector<2048xi32>
    %reduce_min3A_16 = vector.multi_reduction <minsi>, %select_n3A, %reduce_min3A [1] : vector<2048x64xi32> to vector<2048xi32>
    %broadcast_in_dim3A_17 = vector.shape_cast %reduce_min3A_16 : vector<2048xi32> to vector<2048x1xi32>
    %eq3A_18 = vector.broadcast %broadcast_in_dim3A_17 : vector<2048x1xi32> to vector<2048x64xi32>
    %eq3A_19 = arith.cmpi eq, %iota3A, %eq3A_18 : vector<2048x64xi32>
    %convert_element_type3A = arith.extui %eq3A_19 : vector<2048x64xi1> to vector<2048x64xi32>
    %convert_element_type3A_20 = arith.sitofp %convert_element_type3A : vector<2048x64xi32> to vector<2048x64xf32>
    %iota3A_21 = tpu.iota {dimensions = array<i32: 0>} : vector<256x256xi32>
    %iota3A_22 = tpu.iota {dimensions = array<i32: 1>} : vector<256x256xi32>
    %gt3A = arith.cmpi sgt, %iota3A_21, %iota3A_22 : vector<256x256xi32>
    %convert_element_type3A_23 = arith.extui %gt3A : vector<256x256xi1> to vector<256x256xi32>
    %convert_element_type3A_24 = arith.sitofp %convert_element_type3A_23 : vector<256x256xi32> to vector<256x256xf32>
    %broadcast_in_dim3A_25 = arith.constant 0.000000e+00 : f32
    %broadcast_in_dim3A_26 = vector.broadcast %broadcast_in_dim3A_25 : f32 to vector<1x64xf32>
    %slice3A = vector.extract_strided_slice %convert_element_type3A_20 {offsets = [0, 0], sizes = [256, 64], strides = [1, 1]} : vector<2048x64xf32> to vector<256x64xf32>
    %dot_general3A_27 = arith.constant dense<0.000000e+00> : vector<256x64xf32>
    %dot_general3A_28 = tpu.matmul %convert_element_type3A_24, %slice3A, %dot_general3A_27 {dimension_numbers = #tpu.dot_dimension_numbers<[1], [0], [0], [1], [0, 0, 1, 1], [], []>, transpose_lhs_hint = false} : vector<256x256xf32>, vector<256x64xf32>, vector<256x64xf32> -> vector<256x64xf32>
    %add3A = vector.broadcast %broadcast_in_dim3A_26 : vector<1x64xf32> to vector<256x64xf32>
    %add3A_29 = arith.addf %dot_general3A_28, %add3A : vector<256x64xf32>
    %mul3A = arith.mulf %add3A_29, %slice3A : vector<256x64xf32>
    %reduce_sum3A_30 = arith.constant dense<0.000000e+00> : vector<256xf32>
    %reduce_sum3A_31 = vector.multi_reduction <add>, %mul3A, %reduce_sum3A_30 [1] : vector<256x64xf32> to vector<256xf32>
    %broadcast_in_dim3A_32 = vector.shape_cast %reduce_sum3A_31 : vector<256xf32> to vector<256x1xf32>
    %reduce_sum3A_33 = arith.constant dense<0.000000e+00> : vector<64xf32>
    %reduce_sum3A_34 = vector.multi_reduction <add>, %slice3A, %reduce_sum3A_33 [0] : vector<256x64xf32> to vector<64xf32>
    %broadcast_in_dim3A_35 = vector.shape_cast %reduce_sum3A_34 : vector<64xf32> to vector<1x64xf32>
    %add3A_36 = arith.addf %broadcast_in_dim3A_26, %broadcast_in_dim3A_35 : vector<1x64xf32>
    %slice3A_37 = vector.extract_strided_slice %convert_element_type3A_20 {offsets = [256, 0], sizes = [256, 64], strides = [1, 1]} : vector<2048x64xf32> to vector<256x64xf32>
    %dot_general3A_38 = arith.constant dense<0.000000e+00> : vector<256x64xf32>
    %dot_general3A_39 = tpu.matmul %convert_element_type3A_24, %slice3A_37, %dot_general3A_38 {dimension_numbers = #tpu.dot_dimension_numbers<[1], [0], [0], [1], [0, 0, 1, 1], [], []>, transpose_lhs_hint = false} : vector<256x256xf32>, vector<256x64xf32>, vector<256x64xf32> -> vector<256x64xf32>
    %add3A_40 = vector.broadcast %add3A_36 : vector<1x64xf32> to vector<256x64xf32>
    %add3A_41 = arith.addf %dot_general3A_39, %add3A_40 : vector<256x64xf32>
    %mul3A_42 = arith.mulf %add3A_41, %slice3A_37 : vector<256x64xf32>
    %reduce_sum3A_43 = arith.constant dense<0.000000e+00> : vector<256xf32>
    %reduce_sum3A_44 = vector.multi_reduction <add>, %mul3A_42, %reduce_sum3A_43 [1] : vector<256x64xf32> to vector<256xf32>
    %broadcast_in_dim3A_45 = vector.shape_cast %reduce_sum3A_44 : vector<256xf32> to vector<256x1xf32>
    %reduce_sum3A_46 = arith.constant dense<0.000000e+00> : vector<64xf32>
    %reduce_sum3A_47 = vector.multi_reduction <add>, %slice3A_37, %reduce_sum3A_46 [0] : vector<256x64xf32> to vector<64xf32>
    %broadcast_in_dim3A_48 = vector.shape_cast %reduce_sum3A_47 : vector<64xf32> to vector<1x64xf32>
    %add3A_49 = arith.addf %add3A_36, %broadcast_in_dim3A_48 : vector<1x64xf32>
    %slice3A_50 = vector.extract_strided_slice %convert_element_type3A_20 {offsets = [512, 0], sizes = [256, 64], strides = [1, 1]} : vector<2048x64xf32> to vector<256x64xf32>
    %dot_general3A_51 = arith.constant dense<0.000000e+00> : vector<256x64xf32>
    %dot_general3A_52 = tpu.matmul %convert_element_type3A_24, %slice3A_50, %dot_general3A_51 {dimension_numbers = #tpu.dot_dimension_numbers<[1], [0], [0], [1], [0, 0, 1, 1], [], []>, transpose_lhs_hint = false} : vector<256x256xf32>, vector<256x64xf32>, vector<256x64xf32> -> vector<256x64xf32>
    %add3A_53 = vector.broadcast %add3A_49 : vector<1x64xf32> to vector<256x64xf32>
    %add3A_54 = arith.addf %dot_general3A_52, %add3A_53 : vector<256x64xf32>
    %mul3A_55 = arith.mulf %add3A_54, %slice3A_50 : vector<256x64xf32>
    %reduce_sum3A_56 = arith.constant dense<0.000000e+00> : vector<256xf32>
    %reduce_sum3A_57 = vector.multi_reduction <add>, %mul3A_55, %reduce_sum3A_56 [1] : vector<256x64xf32> to vector<256xf32>
    %broadcast_in_dim3A_58 = vector.shape_cast %reduce_sum3A_57 : vector<256xf32> to vector<256x1xf32>
    %reduce_sum3A_59 = arith.constant dense<0.000000e+00> : vector<64xf32>
    %reduce_sum3A_60 = vector.multi_reduction <add>, %slice3A_50, %reduce_sum3A_59 [0] : vector<256x64xf32> to vector<64xf32>
    %broadcast_in_dim3A_61 = vector.shape_cast %reduce_sum3A_60 : vector<64xf32> to vector<1x64xf32>
    %add3A_62 = arith.addf %add3A_49, %broadcast_in_dim3A_61 : vector<1x64xf32>
    %slice3A_63 = vector.extract_strided_slice %convert_element_type3A_20 {offsets = [768, 0], sizes = [256, 64], strides = [1, 1]} : vector<2048x64xf32> to vector<256x64xf32>
    %dot_general3A_64 = arith.constant dense<0.000000e+00> : vector<256x64xf32>
    %dot_general3A_65 = tpu.matmul %convert_element_type3A_24, %slice3A_63, %dot_general3A_64 {dimension_numbers = #tpu.dot_dimension_numbers<[1], [0], [0], [1], [0, 0, 1, 1], [], []>, transpose_lhs_hint = false} : vector<256x256xf32>, vector<256x64xf32>, vector<256x64xf32> -> vector<256x64xf32>
    %add3A_66 = vector.broadcast %add3A_62 : vector<1x64xf32> to vector<256x64xf32>
    %add3A_67 = arith.addf %dot_general3A_65, %add3A_66 : vector<256x64xf32>
    %mul3A_68 = arith.mulf %add3A_67, %slice3A_63 : vector<256x64xf32>
    %reduce_sum3A_69 = arith.constant dense<0.000000e+00> : vector<256xf32>
    %reduce_sum3A_70 = vector.multi_reduction <add>, %mul3A_68, %reduce_sum3A_69 [1] : vector<256x64xf32> to vector<256xf32>
    %broadcast_in_dim3A_71 = vector.shape_cast %reduce_sum3A_70 : vector<256xf32> to vector<256x1xf32>
    %reduce_sum3A_72 = arith.constant dense<0.000000e+00> : vector<64xf32>
    %reduce_sum3A_73 = vector.multi_reduction <add>, %slice3A_63, %reduce_sum3A_72 [0] : vector<256x64xf32> to vector<64xf32>
    %broadcast_in_dim3A_74 = vector.shape_cast %reduce_sum3A_73 : vector<64xf32> to vector<1x64xf32>
    %add3A_75 = arith.addf %add3A_62, %broadcast_in_dim3A_74 : vector<1x64xf32>
    %slice3A_76 = vector.extract_strided_slice %convert_element_type3A_20 {offsets = [1024, 0], sizes = [256, 64], strides = [1, 1]} : vector<2048x64xf32> to vector<256x64xf32>
    %dot_general3A_77 = arith.constant dense<0.000000e+00> : vector<256x64xf32>
    %dot_general3A_78 = tpu.matmul %convert_element_type3A_24, %slice3A_76, %dot_general3A_77 {dimension_numbers = #tpu.dot_dimension_numbers<[1], [0], [0], [1], [0, 0, 1, 1], [], []>, transpose_lhs_hint = false} : vector<256x256xf32>, vector<256x64xf32>, vector<256x64xf32> -> vector<256x64xf32>
    %add3A_79 = vector.broadcast %add3A_75 : vector<1x64xf32> to vector<256x64xf32>
    %add3A_80 = arith.addf %dot_general3A_78, %add3A_79 : vector<256x64xf32>
    %mul3A_81 = arith.mulf %add3A_80, %slice3A_76 : vector<256x64xf32>
    %reduce_sum3A_82 = arith.constant dense<0.000000e+00> : vector<256xf32>
    %reduce_sum3A_83 = vector.multi_reduction <add>, %mul3A_81, %reduce_sum3A_82 [1] : vector<256x64xf32> to vector<256xf32>
    %broadcast_in_dim3A_84 = vector.shape_cast %reduce_sum3A_83 : vector<256xf32> to vector<256x1xf32>
    %reduce_sum3A_85 = arith.constant dense<0.000000e+00> : vector<64xf32>
    %reduce_sum3A_86 = vector.multi_reduction <add>, %slice3A_76, %reduce_sum3A_85 [0] : vector<256x64xf32> to vector<64xf32>
    %broadcast_in_dim3A_87 = vector.shape_cast %reduce_sum3A_86 : vector<64xf32> to vector<1x64xf32>
    %add3A_88 = arith.addf %add3A_75, %broadcast_in_dim3A_87 : vector<1x64xf32>
    %slice3A_89 = vector.extract_strided_slice %convert_element_type3A_20 {offsets = [1280, 0], sizes = [256, 64], strides = [1, 1]} : vector<2048x64xf32> to vector<256x64xf32>
    %dot_general3A_90 = arith.constant dense<0.000000e+00> : vector<256x64xf32>
    %dot_general3A_91 = tpu.matmul %convert_element_type3A_24, %slice3A_89, %dot_general3A_90 {dimension_numbers = #tpu.dot_dimension_numbers<[1], [0], [0], [1], [0, 0, 1, 1], [], []>, transpose_lhs_hint = false} : vector<256x256xf32>, vector<256x64xf32>, vector<256x64xf32> -> vector<256x64xf32>
    %add3A_92 = vector.broadcast %add3A_88 : vector<1x64xf32> to vector<256x64xf32>
    %add3A_93 = arith.addf %dot_general3A_91, %add3A_92 : vector<256x64xf32>
    %mul3A_94 = arith.mulf %add3A_93, %slice3A_89 : vector<256x64xf32>
    %reduce_sum3A_95 = arith.constant dense<0.000000e+00> : vector<256xf32>
    %reduce_sum3A_96 = vector.multi_reduction <add>, %mul3A_94, %reduce_sum3A_95 [1] : vector<256x64xf32> to vector<256xf32>
    %broadcast_in_dim3A_97 = vector.shape_cast %reduce_sum3A_96 : vector<256xf32> to vector<256x1xf32>
    %reduce_sum3A_98 = arith.constant dense<0.000000e+00> : vector<64xf32>
    %reduce_sum3A_99 = vector.multi_reduction <add>, %slice3A_89, %reduce_sum3A_98 [0] : vector<256x64xf32> to vector<64xf32>
    %broadcast_in_dim3A_100 = vector.shape_cast %reduce_sum3A_99 : vector<64xf32> to vector<1x64xf32>
    %add3A_101 = arith.addf %add3A_88, %broadcast_in_dim3A_100 : vector<1x64xf32>
    %slice3A_102 = vector.extract_strided_slice %convert_element_type3A_20 {offsets = [1536, 0], sizes = [256, 64], strides = [1, 1]} : vector<2048x64xf32> to vector<256x64xf32>
    %dot_general3A_103 = arith.constant dense<0.000000e+00> : vector<256x64xf32>
    %dot_general3A_104 = tpu.matmul %convert_element_type3A_24, %slice3A_102, %dot_general3A_103 {dimension_numbers = #tpu.dot_dimension_numbers<[1], [0], [0], [1], [0, 0, 1, 1], [], []>, transpose_lhs_hint = false} : vector<256x256xf32>, vector<256x64xf32>, vector<256x64xf32> -> vector<256x64xf32>
    %add3A_105 = vector.broadcast %add3A_101 : vector<1x64xf32> to vector<256x64xf32>
    %add3A_106 = arith.addf %dot_general3A_104, %add3A_105 : vector<256x64xf32>
    %mul3A_107 = arith.mulf %add3A_106, %slice3A_102 : vector<256x64xf32>
    %reduce_sum3A_108 = arith.constant dense<0.000000e+00> : vector<256xf32>
    %reduce_sum3A_109 = vector.multi_reduction <add>, %mul3A_107, %reduce_sum3A_108 [1] : vector<256x64xf32> to vector<256xf32>
    %broadcast_in_dim3A_110 = vector.shape_cast %reduce_sum3A_109 : vector<256xf32> to vector<256x1xf32>
    %reduce_sum3A_111 = arith.constant dense<0.000000e+00> : vector<64xf32>
    %reduce_sum3A_112 = vector.multi_reduction <add>, %slice3A_102, %reduce_sum3A_111 [0] : vector<256x64xf32> to vector<64xf32>
    %broadcast_in_dim3A_113 = vector.shape_cast %reduce_sum3A_112 : vector<64xf32> to vector<1x64xf32>
    %add3A_114 = arith.addf %add3A_101, %broadcast_in_dim3A_113 : vector<1x64xf32>
    %slice3A_115 = vector.extract_strided_slice %convert_element_type3A_20 {offsets = [1792, 0], sizes = [256, 64], strides = [1, 1]} : vector<2048x64xf32> to vector<256x64xf32>
    %dot_general3A_116 = arith.constant dense<0.000000e+00> : vector<256x64xf32>
    %dot_general3A_117 = tpu.matmul %convert_element_type3A_24, %slice3A_115, %dot_general3A_116 {dimension_numbers = #tpu.dot_dimension_numbers<[1], [0], [0], [1], [0, 0, 1, 1], [], []>, transpose_lhs_hint = false} : vector<256x256xf32>, vector<256x64xf32>, vector<256x64xf32> -> vector<256x64xf32>
    %add3A_118 = vector.broadcast %add3A_114 : vector<1x64xf32> to vector<256x64xf32>
    %add3A_119 = arith.addf %dot_general3A_117, %add3A_118 : vector<256x64xf32>
    %mul3A_120 = arith.mulf %add3A_119, %slice3A_115 : vector<256x64xf32>
    %reduce_sum3A_121 = arith.constant dense<0.000000e+00> : vector<256xf32>
    %reduce_sum3A_122 = vector.multi_reduction <add>, %mul3A_120, %reduce_sum3A_121 [1] : vector<256x64xf32> to vector<256xf32>
    %broadcast_in_dim3A_123 = vector.shape_cast %reduce_sum3A_122 : vector<256xf32> to vector<256x1xf32>
    %concatenate3A = tpu.concatenate %broadcast_in_dim3A_32, %broadcast_in_dim3A_45, %broadcast_in_dim3A_58, %broadcast_in_dim3A_71, %broadcast_in_dim3A_84, %broadcast_in_dim3A_97, %broadcast_in_dim3A_110, %broadcast_in_dim3A_123 in 0 : vector<256x1xf32>, vector<256x1xf32>, vector<256x1xf32>, vector<256x1xf32>, vector<256x1xf32>, vector<256x1xf32>, vector<256x1xf32>, vector<256x1xf32> -> vector<2048x1xf32>
    %convert_element_type3A_124 = arith.fptosi %concatenate3A : vector<2048x1xf32> to vector<2048x1xi32>
    %lt3A = arith.constant 64 : i32
    %lt3A_125 = vector.broadcast %lt3A : i32 to vector<2048x1xi32>
    %lt3A_126 = arith.cmpi slt, %convert_element_type3A_124, %lt3A_125 : vector<2048x1xi32>
    %mul3A_127 = arith.constant 64 : i32
    %mul3A_128 = vector.broadcast %mul3A_127 : i32 to vector<2048x1xi32>
    %mul3A_129 = arith.muli %broadcast_in_dim3A_17, %mul3A_128 : vector<2048x1xi32>
    %add3A_130 = arith.addi %mul3A_129, %convert_element_type3A_124 : vector<2048x1xi32>
    %jit3A_131 = arith.constant -1 : i32
    %broadcast_in_dim3A_132 = vector.broadcast %jit3A_131 : i32 to vector<2048x1xi32>
    %select_n3A_133 = arith.select %lt3A_126, %add3A_130, %broadcast_in_dim3A_132 : vector<2048x1xi1>, vector<2048x1xi32>
    %swap3A = arith.constant 0 : index
    %swap3A_134 = arith.constant 0 : index
    %swap3A_135 = vector.load %arg2[%swap3A, %swap3A_134] : memref<2048x1xi32, #tpu.memory_space<vmem>>, vector<2048x1xi32>
    tpu.vector_store %arg2[%swap3A, %swap3A_134], %select_n3A_133 {strides = array<i32>} : memref<2048x1xi32, #tpu.memory_space<vmem>>, vector<2048x1xi32>,
    %jit3A_136 = arith.constant 0.000000e+00 : f32
    %broadcast_in_dim3A_137 = vector.broadcast %jit3A_136 : f32 to vector<2048x1xf32>
    %select_n3A_138 = arith.select %lt3A_126, %broadcast_in_dim3A_13, %broadcast_in_dim3A_137 : vector<2048x1xi1>, vector<2048x1xf32>
    %swap3A_139 = arith.constant 0 : index
    %swap3A_140 = arith.constant 0 : index
    %swap3A_141 = vector.load %arg3[%swap3A_139, %swap3A_140] : memref<2048x1xf32, #tpu.memory_space<vmem>>, vector<2048x1xf32>
    tpu.vector_store %arg3[%swap3A_139, %swap3A_140], %select_n3A_138 {strides = array<i32>} : memref<2048x1xf32, #tpu.memory_space<vmem>>, vector<2048x1xf32>,
    return
  }
}

</mosaic_0001>

<sc_bundles>
// kernel: kernel.6.cloned.1.call-start
scs
__scs_entry_jumppad:
0x0: {  	(pc) =	sbr.rel $0x88, $3  }
0x1: {  	(tag) =	ssettag $0x0;
	lr =	simm.s32 $0x1  }
0x2: {  	[smem:$0x3F9D] =	sst lr;
	_ =	strace $0xD0000000  }
0x3: {  	_ = 	snop  }
0x4: {  	_ = 	snop  }
0x5: {  	_ = 	snop  }
0x6: {  	_ = 	snop  }
0x7: {  	_ = 	snop  }
__scs_overlays_trampoline_lowered:
0x8: {  	[smem:$0x3FAC] =	sst s0  }
0x9: {  	[smem:$0x3FAD] =	sst s1  }
0xa: {  	[smem:$0x3FAE] =	sst s2  }
0xb: {  	[smem:$0x3FAF] =	sst s3  }
0xc: {  	[smem:$0x3FB0] =	sst s4  }
0xd: {  	[smem:$0x3FB1] =	sst s5  }
0xe: {  	[smem:$0x3FB2] =	sst s6  }
0xf: {  	[smem:$0x3FB3] =	sst s7  }
0x10: {  	[smem:$0x3FB4] =	sst s8  }
0x11: {  	[smem:$0x3FB5] =	sst s9;
	s0 =	simm.s32 @!p0 $0x0  }
0x12: {  	s1 =	sld [smem:$0x3F9B];
	s0 =	simm.s32 @p0 $0x1  }
0x13: {  	[smem:$0x3FB6] =	sst s0;
	s0 =	simm.s32 @!p1 $0x0  }
0x14: {  	s2 =	sld [smem:$0x3F9A];
	s0 =	simm.s32 @p1 $0x1  }
0x15: {  	[smem:$0x3FB7] =	sst s0;
	s0 =	simm.s32 @!p2 $0x0  }
0x16: {  	s3 =	sld [smem:$0x3FDB];
	s0 =	simm.s32 @p2 $0x1  }
0x17: {  	s4 =	simm.s32 $0x1BF5;
	[smem:$0x3FB9] =	sst s0  }
0x18: {  	s0 =	sld [smem:$0x3F9C];
	_ =	swait.ge [sflag:s4], $0x0  }
0x19: {  	s7 =	sld [smem:$0x3F9D]  }
0x1a: {  	s8 =	sadd.s32 $0xFFFFE003, lr  }
0x1b: {  	s9 =	sadd.s32 $0xFFFFFEF7, lr;
	s5 =	simm.s32 $0xFFFFFFFF;
	p2 =	slt.u32 s8, $0xFFFFF086  }
0x1c: {  	p1 =	slt.u32 s9, $0xF7A;
	s5 =	simm.s32 @!p2 $0x0  }
0x1d: {  	s5 =	simm.s32 @p1 $0x1;
	p0 =	seq.s32 s7, s2  }
0x1e: {  	s7 =	smul.u32 @!p0 $0xF7A, s2;
	p2 =	seq.s32 @!p0 s5, $0x0  }
0x1f: {  	s9 =	smul.u32 $0xF7A, s1;
	s8 =	simm.s32 @!p0 $0x1BF5;
	p2 =	por !p2, p0  }
0x20: {  	[sflag:s8] =	ssyncset.s32 @!p0 $0xFFFFF086;
	s6 =	sadd.s32 @!p0 s3, s7;
	s7 =	simm.s32 @!p0 $0x108  }
0x21: {  	s3 =	sadd.s32 s3, s9;
	s6 =	sadd.s32 @!p0 $0x88, s6;
	s7 =	simm.s32 @p2 $0x1082  }
0x22: {  	[simem:s7], [sflag:s8] =	dma.local @!p0 [hbm:s6], $0xF7A  }
0x23: {  	s9 =	sor.u32 $0xD0000000, s2;
	s6 =	simm.s32 $0x108;
	_ =	swait.ge @!p0 [sflag:s8], $0x0  }
0x24: {  	s3 =	sadd.s32 $0x88, s3;
	s6 =	simm.s32 @!p1 $0x1082;
	[sflag:s4] =	ssyncset.s32 $0xFFFFF086  }
0x25: {  	[simem:s6], [sflag:s4] =	dma.local [hbm:s3], $0xF7A  }
0x26: {  	[smem:$0x3F9D] =	sst s1;
	(tag) =	ssettag s2;
	_ =	strace s9  }
0x27: {  	s1 =	sld [smem:$0x3FAD]  }
0x28: {  	s2 =	sld [smem:$0x3FAE]  }
0x29: {  	s4 =	sld [smem:$0x3FB0]  }
0x2a: {  	p0 =	seq.s32 s5, $0x0;
	s5 =	sld [smem:$0x3FB1]  }
0x2b: {  	s6 =	sld [smem:$0x3FB2]  }
0x2c: {  	s7 =	sld [smem:$0x3FB3]  }
0x2d: {  	s3 =	simm.s32 $0x108;
	s8 =	sld [smem:$0x3FB4]  }
0x2e: {  	s3 =	simm.s32 @!p0 $0x1082;
	s9 =	sld [smem:$0x3FB5]  }
0x2f: {  	lr =	sadd.s32 s0, s3;
	s0 =	sld [smem:$0x3FAC]  }
0x30: {  	s3 =	sld [smem:$0x3FAF]  }
0x31: {  	[smem:$0x3FB8] =	sst s10  }
0x32: {  	s10 =	sld [smem:$0x3FB6];
	_ =	sdelay $0x3  }
0x33: {  	p0 =	seq.s32 s10, $0x1;
	s10 =	sld [smem:$0x3FB8];
	_ =	sdelay $0x3  }
0x34: {  	[smem:$0x3FB8] =	sst s10  }
0x35: {  	s10 =	sld [smem:$0x3FB7];
	_ =	sdelay $0x3  }
0x36: {  	p1 =	seq.s32 s10, $0x1;
	s10 =	sld [smem:$0x3FB8];
	_ =	sdelay $0x3  }
0x37: {  	[smem:$0x3FB8] =	sst s10  }
0x38: {  	s10 =	sld [smem:$0x3FB9]  }
0x39: {  	_ = 	snop;
	(pc) =	sbr.ind lr, $3  }
0x3a: {  	_ = 	snop  }
0x3b: {  	_ = 	snop  }
0x3c: {  	p2 =	seq.s32 s10, $0x1;
	s10 =	sld [smem:$0x3FB8]  }
0x3d: {  	_ =	shalt  }
0x3e: {  	_ =	shalt  }
0x3f: {  	_ =	shalt  }
0x40: {  	_ =	shalt  }
0x41: {  	_ =	shalt  }
0x42: {  	_ =	shalt  }
0x43: {  	_ =	shalt  }
0x44: {  	_ =	shalt  }
0x45: {  	_ =	shalt  }
0x46: {  	_ =	shalt  }
0x47: {  	_ =	shalt  }
0x48: {  	_ =	shalt  }
0x49: {  	_ =	shalt  }
0x4a: {  	_ =	shalt  }
0x4b: {  	_ =	shalt  }
0x4c: {  	_ =	shalt  }
0x4d: {  	_ =	shalt  }
0x4e: {  	_ =	shalt  }
0x4f: {  	_ =	shalt  }
0x50: {  	_ =	shalt  }
0x51: {  	_ =	shalt  }
0x52: {  	_ =	shalt  }
0x53: {  	_ =	shalt  }
0x54: {  	_ =	shalt  }
0x55: {  	_ =	shalt  }
0x56: {  	_ =	shalt  }
0x57: {  	_ =	shalt  }
0x58: {  	_ =	shalt  }
0x59: {  	_ =	shalt  }
0x5a: {  	_ =	shalt  }
0x5b: {  	_ =	shalt  }
0x5c: {  	_ =	shalt  }
0x5d: {  	_ =	shalt  }
0x5e: {  	_ =	shalt  }
0x5f: {  	_ =	shalt  }
0x60: {  	_ =	shalt  }
0x61: {  	_ =	shalt  }
0x62: {  	_ =	shalt  }
0x63: {  	_ =	shalt  }
0x64: {  	_ =	shalt  }
0x65: {  	_ =	shalt  }
0x66: {  	_ =	shalt  }
0x67: {  	_ =	shalt  }
0x68: {  	_ =	shalt  }
0x69: {  	_ =	shalt  }
0x6a: {  	_ =	shalt  }
0x6b: {  	_ =	shalt  }
0x6c: {  	_ =	shalt  }
0x6d: {  	_ =	shalt  }
0x6e: {  	_ =	shalt  }
0x6f: {  	_ =	shalt  }
0x70: {  	_ =	shalt  }
0x71: {  	_ =	shalt  }
0x72: {  	_ =	shalt  }
0x73: {  	_ =	shalt  }
0x74: {  	_ =	shalt  }
0x75: {  	_ =	shalt  }
0x76: {  	_ =	shalt  }
0x77: {  	_ =	shalt  }
0x78: {  	_ =	shalt  }
0x79: {  	_ =	shalt  }
0x7a: {  	_ =	shalt  }
0x7b: {  	_ =	shalt  }
0x7c: {  	_ =	shalt  }
0x7d: {  	_ =	shalt  }
0x7e: {  	_ =	shalt  }
0x7f: {  	_ =	shalt  }
0x80: {  	_ =	shalt  }
0x81: {  	_ =	shalt  }
0x82: {  	_ =	shalt  }
0x83: {  	_ =	shalt  }
0x84: {  	_ =	shalt  }
0x85: {  	_ =	shalt  }
0x86: {  	_ =	shalt  }
0x87: {  	_ =	shalt  }
.Lfunc_end0:
.L_simem_size_0:
called_computation_lowered:
.L_overlay_start_0:
0x88: {  	s2 =	sld [smem:$0x3FD9]  }
0x89: {  	s3 =	sld [smem:$0x3FFE];
	_ =	sdelay $0x1  }
0x8a: {  	s1 =	srdreg.scid  }
0x8b: {  	s0 =	sand.u32 $0x1, s1  }
0x8c: {  	s17 =	sshll.u32 s0, $0xA;
	s2 =	sadd.s32 s3, s2  }
0x8d: {  	s2 =	sadd.s32 s2, s17  }
0x8e: {  	[smem:$0x3FC4] =	sst s2  }
0x8f: {  	_ = 	snop  }
0x90: {  	s2 =	sld [smem:$0x3FC9];
	(tm) =	ssettm $0x1  }
0x91: {  	s18 =	sld [smem:$0x3FFB];
	_ =	sdelay $0x3  }
0x92: {  	_ =	strace s18  }
0x93: {  	s3 =	sld [smem:$0x3FFC];
	_ =	sdelay $0x3  }
0x94: {  	_ =	strace s3  }
0x95: {  	s3 =	sld [smem:$0x3FFD];
	_ =	sdelay $0x3  }
0x96: {  	_ =	strace s3  }
0x97: {  	_ =	strace $0x8FFFFFFF  }
0x98: {  	s19 =	sld [smem:$0x3FDB];
	_ =	sdelay $0x1  }
0x99: {  	s4 =	simm.s32 $_scs_section_size  }
0x9a: {  	s5 =	simm.s32 $_size__tile_overlayer_lowered;
	s6 =	simm.s32 $_tile_overlayer_lowered  }
0x9b: {  	s22 =	simm.s32 $0x1BFF;
	s21 =	sshll.u32 s6, $0x1;
	s3 =	sadd.s32 s4, s19  }
0x9c: {  	s7 =	simm.s32 $0x0;
	s20 =	sshll.u32 s5, $0x1;
	s5 =	sadd.s32 s21, s3  }
0x9d: {  	[timem:s7], [sflag:s22] =	dma.local [hbm:s5], s20  }
0x9e: {  	_ =	swait.ge [sflag:s22], s20  }
0x9f: {  	s4 =	ssub.s32 $0x0, s20;
	[sflag:s22] =	ssyncset.done $0x0  }
0xa0: {  	[sflag:s22] =	ssyncadd.s32 s4;
	_ =	sdelay $0x1  }
0xa1: {  	s23 =	simm.s32 $0x1B8B  }
0xa2: {  	_ =	swait.ge [sflag:s23], $0x1  }
0xa3: {  	[sflag:s23] =	ssyncset.done $0x0  }
0xa4: {  	s25 =	simm.s32 $0x1B8E;
	s24 =	sld [smem:$0x3FFE];
	[sflag:s23] =	ssyncadd.s32 $0xFFFFFFFF  }
0xa5: {  	s26 =	simm.s32 $execute0_lowered;
	[smem:$0x3FD2] =	sst s25  }
0xa6: {  	s5 =	sshll.u32 s26, $0x1;
	_ =	strace $0x80000046;
	[dreg:$0x1] =	wrdreg $0xFFFFFFFF  }
0xa7: {  	s28 =	simm.s32 $_size_execute0_lowered;
	s3 =	sadd.s32 s3, s5;
	[dreg:$0x0] =	wrdreg $0x0  }
0xa8: {  	s5 =	sshll.u32 s28, $0x1;
	[dreg:$0x2] =	wrdreg s3  }
0xa9: {  	[dreg:$0x3] =	wrdreg s5  }
0xaa: {  	[dreg:$0x4] =	wrdreg $0xC0  }
0xab: {  	_ =	task [dreg:s7], $0x5FFFF  }
0xac: {  	[dreg:$0x1] =	wrdreg $0xFFFFFFFF  }
0xad: {  	[dreg:$0x0] =	wrdreg $0x60  }
0xae: {  	[dreg:$0x2] =	wrdreg s24  }
0xaf: {  	[dreg:$0x3] =	wrdreg s2  }
0xb0: {  	[dreg:$0x4] =	wrdreg $0x9  }
0xb1: {  	_ =	task.clear_ibuf [dreg:s7], $0x5FFFF;
	_ =	strace $0x90000046  }
0xb2: {  	s29 =	simm.s32 $0x9;
	_ =	strace $0x80000048  }
0xb3: {  	_ =	swait.ge [sflag:s29], $0x1  }
0xb4: {  	[sflag:s29] =	ssyncadd.s32 $0xFFFFFFFF  }
0xb5: {  	_ =	strace $0x90000048  }
0xb6: {  	_ =	sfence  }
0xb7: {  	s30 =	sld [smem:$0x0];
	_ =	sdelay $0x2  }
0xb8: {  	s31 =	sshll.u32 s1, $0xD;
	s1 =	sshrl.u32 s1, $0x2  }
0xb9: {  	s3 =	sand.u32 $0x4000, s31;
	s1 =	sadd.s32 s1, s30  }
0xba: {  	s0 =	sor.u32 s3, s0;
	s1 =	sshll.u32 s1, $0x11  }
0xbb: {  	s0 =	sor.u32 s1, s0  }
0xbc: {  	s0 =	sadd.s32 $0x8F2B, s0  }
0xbd: {  	[sflag:s0] =	ssyncadd.remote.s32 $0x1  }
0xbe: {  	_ =	sfence.sel $0xFFFF  }
0xbf: {  	[dreg:$0x0] =	wrdreg $0xFFFFFFFF;
	(pc) =	sbr.abs _section_cstart, $3  }
0xc0: {  	[dreg:$0x1] =	wrdreg $0xFFFFFFFF  }
0xc1: {  	_ =	task.clear_ibuf [dreg:s7], $0x2FFFF;
	_ =	strace $0x9FFFFFFF  }
0xc2: {  	(tm) =	ssettm $0x7FFFFFFF  }
0xc3: {  	_ =	shalt  }
tec
execute0_lowered:
.L_overlay_start_1:
0x0: {  	(tag) =	ssettag $0x1  }
0x1: {  	s0 =	srdreg.scid;
	s1 =	rddreg [dreg:$0x0]  }
0x2: {  	s3 =	stileid.u32;
	s2 =	rddreg [dreg:$0x1]  }
0x3: {  	s9 =	simm.s32 $0x2;
	s10 =	simm.s32 $0x800;
	s11 =	simm.s32 $0x880  }
0x4: {  	s22 =	simm.s32 $0x10880;
	s23 =	simm.s32 $0x11080;
	s24 =	simm.s32 $0x11880  }
0x5: {  	s25 =	simm.s32 $0x12080;
	s28 =	simm.s32 $0x13080;
	s29 =	simm.s32 $0x13880  }
0x6: {  	s30 =	simm.s32 $0x14080;
	s31 =	simm.s32 $0x14880;
	s4 =	sand.u32 $0x1, s0  }
0x7: {  	s26 =	sshll.u32 s3, $0x8;
	s3 =	simm.s32 $0x0;
	s5 =	sshll.u32 s4, $0x7  }
0x8: {  	[smem:$0x7FF] =	sst s3;
	s6 =	ssub.s32 $0x2, s4;
	s4 =	sadd.s32 $0x200, s1  }
0x9: {  	s0 =	sor.u32 s5, s26;
	_ =	strace $0x80000047;
	s7 =	sshrl.u32 s6, $0x1  }
0xa: {  	s26 =	simm.s32 $0x12880;
	s5 =	sshrl.u32 s0, $0x3;
	s12 =	sand.u32 $0x780, s0  }
0xb: {  	s8 =	ssub.s32 s6, s7;
	s20 =	sadd.s32 $0x80, s0;
	s6 =	sadd.s32 $0x200, s2  }
0xc: {  	v9 =	vmov s0;
	s0 =	simm.s32 $0x15880;
	s5 =	smul.u32 $0x300, s5;
	s13 =	sor.u32 $0x10, s12  }
0xd: {  	v0 =	vlaneseq.u32;
	s14 =	sor.u32 $0x20, s12;
	s15 =	sor.u32 $0x30, s12;
	s16 =	sor.u32 $0x40, s12  }
0xe: {  	vm0 =	vmmov $0xffff;
	v11 =	vand.u32 $0x7, v0;
	s17 =	sor.u32 $0x50, s12;
	s18 =	sor.u32 $0x60, s12;
	s19 =	sor.u32 $0x70, s12  }
0xf: {  	v12 =	vshrl.u32 v0, $0x3;
	s8 =	smax.u32 s8, $0x1;
	v1 =	vor.u32 s12, v0;
	s12 =	simm.s32 $0x16080;
	v2 =	vor.u32 s13, v0;
	s13 =	simm.s32 $0x16880  }
0x10: {  	v3 =	vor.u32 s14, v0;
	v4 =	vor.u32 s15, v0;
	v5 =	vor.u32 s16, v0;
	s14 =	simm.s32 $0x17080;
	s15 =	simm.s32 $0x17880;
	s16 =	simm.s32 $0x18080  }
0x11: {  	v13 =	vor.u32 $0x8, v0;
	v6 =	vor.u32 s17, v0;
	v7 =	vor.u32 s18, v0;
	s17 =	simm.s32 $0x1;
	s18 =	simm.s32 $0x0;
	s1 =	sadd.s32 s5, s1  }
0x12: {  	v12 =	vmul.u32 $0x8, v12;
	v10 =	vmov s20;
	v8 =	vor.u32 s19, v0;
	s5 =	sadd.s32 $0x100, s2;
	s7 =	sadd.s32 $0x400, s1;
	s1 =	simm.s32 $0x15080  }
.LBB2_1:
0x13: {  	[tilespmem:s3], [sflag:$0x2] =	stream.linear.gather [hbm4b:s4+s3], $0x800, $0x38;
	[tilespmem:$0x18880] =	vst v63  }
0x14: {  	_ =	swait.ge [sflag:s9], $0x800  }
0x15: {  	[sflag:s9] =	ssyncset.done $0x0  }
0x16: {  	[sflag:s9] =	ssyncadd.s32 $0xFFFFF800  }
0x17: {  	[tilespmem:$0x800] =	vst v1  }
0x18: {  	[tilespmem:$0x810] =	vst v2  }
0x19: {  	[tilespmem:$0x820] =	vst v3  }
0x1a: {  	[tilespmem:$0x830] =	vst v4  }
0x1b: {  	[tilespmem:$0x840] =	vst v5  }
0x1c: {  	[tilespmem:$0x850] =	vst v6  }
0x1d: {  	[tilespmem:$0x860] =	vst v7  }
0x1e: {  	[tilespmem:$0x870] =	vst v8  }
0x1f: {  	s20 =	simm.s32 $0x10;
	s19 =	simm.s32 $0x0;
	s21 =	simm.s32 $0x0;
	v14 =	vld [tilespmem:s3+$0x0]  }
.LBB2_2:
0x20: {  	p0 =	sne.s32 s20, $0x7F0;
	_ =	sdelay $0x3  }
0x21: {  	vm1 =	vge.s32 v14, v9;
	vm2 =	vlt.s32 v14, v10;
	v15 =	vsub.s32 v14, v9  }
0x22: {  	v14 =	vand.u32 $0x7F, v14;
	vm1 =	vmand vm1, vm2;
	v15 =	vand.u32 $0xFFFFFF80, v15  }
0x23: {  	v14 =	vor.u32 v14, v15;
	_ =	sdelay $0x1  }
.Ltmp0:
0x24: {  	(pc) =	sbr.rel @p0 .LBB2_2-.Ltmp0, $4  }
0x25: {  	_ = 	snop  }
0x26: {  	v15 =	vor.u32 s19, v0;
	s19 =	smov.u32 s20  }
0x27: {  	s21 =	sadd.s32 $0x10, s21;
	[tilespmem:v14+s10+$0x0] =	vst.idx.msk vm1, v15  }
0x28: {  	s20 =	sadd.s32 $0x10, s20;
	v14 =	vld [tilespmem:s21+$0x0]  }
0x29: {  	_ =	sdelay $0x3  }
0x2a: {  	vm1 =	vge.s32 v14, v9;
	vm2 =	vlt.s32 v14, v10;
	v15 =	vsub.s32 v14, v9  }
0x2b: {  	v14 =	vand.u32 $0x7F, v14;
	vm1 =	vmand vm1, vm2;
	v15 =	vand.u32 $0xFFFFFF80, v15  }
0x2c: {  	v14 =	vor.u32 v14, v15;
	_ =	sdelay $0x3  }
0x2d: {  	v15 =	vor.u32 s19, v0  }
0x2e: {  	[tilespmem:v14+s10+$0x0] =	vst.idx.msk vm1, v15  }
0x2f: {  	v14 =	vld [tilespmem:$0x800];
	_ =	sdelay $0x4  }
0x30: {  	v15 =	vshrl.u32 v14, $0x3  }
0x31: {  	v15 =	vmul.u32 $0x30, v15  }
0x32: {  	v14 =	vand.u32 $0x7, v14  }
0x33: {  	v14 =	vor.u32 v14, v15  }
0x34: {  	v15 =	vperm.xlane v14, v11;
	_ =	sdelay $0x1  }
0x35: {  	v15 =	vadd.s32 v12, v15;
	_ =	sdelay $0x3  }
0x36: {  	v14 =	vperm.xlane v14, v13  }
0x37: {  	[tilespmem:s11], [sflag:$0x1] =	stream.indirect_vreg.gather [hbm4b:s2+s3], $0x80, v15, vm0, $0xb8;
	[tilespmem:$0x18880] =	vst v63  }
0x38: {  	s21 =	simm.s32 $0x1080;
	v14 =	vadd.s32 v12, v14  }
0x39: {  	[tilespmem:s21], [sflag:$0x1] =	stream.indirect_vreg.gather [hbm4b:s5+s3], $0x80, v15, vm0, $0xb8;
	[tilespmem:$0x18880] =	vst v63  }
0x3a: {  	s20 =	simm.s32 $0x1880  }
0x3b: {  	[tilespmem:s20], [sflag:$0x1] =	stream.indirect_vreg.gather [hbm4b:s6+s3], $0x80, v15, vm0, $0xb8;
	[tilespmem:$0x18880] =	vst v63  }
0x3c: {  	s21 =	simm.s32 $0x2080  }
0x3d: {  	[tilespmem:s21], [sflag:$0x1] =	stream.indirect_vreg.gather [hbm4b:s2+s3], $0x80, v14, vm0, $0xb8;
	[tilespmem:$0x18880] =	vst v63  }
0x3e: {  	s20 =	simm.s32 $0x2880  }
0x3f: {  	[tilespmem:s20], [sflag:$0x1] =	stream.indirect_vreg.gather [hbm4b:s5+s3], $0x80, v14, vm0, $0xb8;
	[tilespmem:$0x18880] =	vst v63  }
0x40: {  	s21 =	simm.s32 $0x3080  }
0x41: {  	[tilespmem:s21], [sflag:$0x1] =	stream.indirect_vreg.gather [hbm4b:s6+s3], $0x80, v14, vm0, $0xb8;
	[tilespmem:$0x18880] =	vst v63  }
0x42: {  	v14 =	vld [tilespmem:$0x810];
	_ =	sdelay $0x4  }
0x43: {  	v15 =	vshrl.u32 v14, $0x3  }
0x44: {  	v15 =	vmul.u32 $0x30, v15  }
0x45: {  	v14 =	vand.u32 $0x7, v14  }
0x46: {  	v14 =	vor.u32 v14, v15  }
0x47: {  	v15 =	vperm.xlane v14, v11;
	_ =	sdelay $0x1  }
0x48: {  	v15 =	vadd.s32 v12, v15;
	_ =	sdelay $0x3  }
0x49: {  	s20 =	simm.s32 $0x3880;
	v14 =	vperm.xlane v14, v13  }
0x4a: {  	[tilespmem:s20], [sflag:$0x1] =	stream.indirect_vreg.gather [hbm4b:s2+s3], $0x80, v15, vm0, $0xb8;
	[tilespmem:$0x18880] =	vst v63  }
0x4b: {  	s21 =	simm.s32 $0x4080;
	v14 =	vadd.s32 v12, v14  }
0x4c: {  	[tilespmem:s21], [sflag:$0x1] =	stream.indirect_vreg.gather [hbm4b:s5+s3], $0x80, v15, vm0, $0xb8;
	[tilespmem:$0x18880] =	vst v63  }
0x4d: {  	s20 =	simm.s32 $0x4880  }
0x4e: {  	[tilespmem:s20], [sflag:$0x1] =	stream.indirect_vreg.gather [hbm4b:s6+s3], $0x80, v15, vm0, $0xb8;
	[tilespmem:$0x18880] =	vst v63  }
0x4f: {  	s21 =	simm.s32 $0x5080  }
0x50: {  	[tilespmem:s21], [sflag:$0x1] =	stream.indirect_vreg.gather [hbm4b:s2+s3], $0x80, v14, vm0, $0xb8;
	[tilespmem:$0x18880] =	vst v63  }
0x51: {  	s20 =	simm.s32 $0x5880  }
0x52: {  	[tilespmem:s20], [sflag:$0x1] =	stream.indirect_vreg.gather [hbm4b:s5+s3], $0x80, v14, vm0, $0xb8;
	[tilespmem:$0x18880] =	vst v63  }
0x53: {  	s21 =	simm.s32 $0x6080  }
0x54: {  	[tilespmem:s21], [sflag:$0x1] =	stream.indirect_vreg.gather [hbm4b:s6+s3], $0x80, v14, vm0, $0xb8;
	[tilespmem:$0x18880] =	vst v63  }
0x55: {  	v14 =	vld [tilespmem:$0x820];
	_ =	sdelay $0x4  }
0x56: {  	v15 =	vshrl.u32 v14, $0x3  }
0x57: {  	v15 =	vmul.u32 $0x30, v15  }
0x58: {  	v14 =	vand.u32 $0x7, v14  }
0x59: {  	v14 =	vor.u32 v14, v15  }
0x5a: {  	v15 =	vperm.xlane v14, v11;
	_ =	sdelay $0x1  }
0x5b: {  	v15 =	vadd.s32 v12, v15;
	_ =	sdelay $0x3  }
0x5c: {  	s20 =	simm.s32 $0x6880;
	v14 =	vperm.xlane v14, v13  }
0x5d: {  	[tilespmem:s20], [sflag:$0x1] =	stream.indirect_vreg.gather [hbm4b:s2+s3], $0x80, v15, vm0, $0xb8;
	[tilespmem:$0x18880] =	vst v63  }
0x5e: {  	s21 =	simm.s32 $0x7080;
	v14 =	vadd.s32 v12, v14  }
0x5f: {  	[tilespmem:s21], [sflag:$0x1] =	stream.indirect_vreg.gather [hbm4b:s5+s3], $0x80, v15, vm0, $0xb8;
	[tilespmem:$0x18880] =	vst v63  }
0x60: {  	s20 =	simm.s32 $0x7880  }
0x61: {  	[tilespmem:s20], [sflag:$0x1] =	stream.indirect_vreg.gather [hbm4b:s6+s3], $0x80, v15, vm0, $0xb8;
	[tilespmem:$0x18880] =	vst v63  }
0x62: {  	s21 =	simm.s32 $0x8080  }
0x63: {  	[tilespmem:s21], [sflag:$0x1] =	stream.indirect_vreg.gather [hbm4b:s2+s3], $0x80, v14, vm0, $0xb8;
	[tilespmem:$0x18880] =	vst v63  }
0x64: {  	s20 =	simm.s32 $0x8880  }
0x65: {  	[tilespmem:s20], [sflag:$0x1] =	stream.indirect_vreg.gather [hbm4b:s5+s3], $0x80, v14, vm0, $0xb8;
	[tilespmem:$0x18880] =	vst v63  }
0x66: {  	s21 =	simm.s32 $0x9080  }
0x67: {  	[tilespmem:s21], [sflag:$0x1] =	stream.indirect_vreg.gather [hbm4b:s6+s3], $0x80, v14, vm0, $0xb8;
	[tilespmem:$0x18880] =	vst v63  }
0x68: {  	v14 =	vld [tilespmem:$0x830];
	_ =	sdelay $0x4  }
0x69: {  	v15 =	vshrl.u32 v14, $0x3  }
0x6a: {  	v15 =	vmul.u32 $0x30, v15  }
0x6b: {  	v14 =	vand.u32 $0x7, v14  }
0x6c: {  	v14 =	vor.u32 v14, v15  }
0x6d: {  	v15 =	vperm.xlane v14, v11;
	_ =	sdelay $0x1  }
0x6e: {  	v15 =	vadd.s32 v12, v15;
	_ =	sdelay $0x3  }
0x6f: {  	s20 =	simm.s32 $0x9880;
	v14 =	vperm.xlane v14, v13  }
0x70: {  	[tilespmem:s20], [sflag:$0x1] =	stream.indirect_vreg.gather [hbm4b:s2+s3], $0x80, v15, vm0, $0xb8;
	[tilespmem:$0x18880] =	vst v63  }
0x71: {  	s21 =	simm.s32 $0xA080;
	v14 =	vadd.s32 v12, v14  }
0x72: {  	[tilespmem:s21], [sflag:$0x1] =	stream.indirect_vreg.gather [hbm4b:s5+s3], $0x80, v15, vm0, $0xb8;
	[tilespmem:$0x18880] =	vst v63  }
0x73: {  	s20 =	simm.s32 $0xA880  }
0x74: {  	[tilespmem:s20], [sflag:$0x1] =	stream.indirect_vreg.gather [hbm4b:s6+s3], $0x80, v15, vm0, $0xb8;
	[tilespmem:$0x18880] =	vst v63  }
0x75: {  	s21 =	simm.s32 $0xB080  }
0x76: {  	[tilespmem:s21], [sflag:$0x1] =	stream.indirect_vreg.gather [hbm4b:s2+s3], $0x80, v14, vm0, $0xb8;
	[tilespmem:$0x18880] =	vst v63  }
0x77: {  	s20 =	simm.s32 $0xB880  }
0x78: {  	[tilespmem:s20], [sflag:$0x1] =	stream.indirect_vreg.gather [hbm4b:s5+s3], $0x80, v14, vm0, $0xb8;
	[tilespmem:$0x18880] =	vst v63  }
0x79: {  	s21 =	simm.s32 $0xC080  }
0x7a: {  	[tilespmem:s21], [sflag:$0x1] =	stream.indirect_vreg.gather [hbm4b:s6+s3], $0x80, v14, vm0, $0xb8;
	[tilespmem:$0x18880] =	vst v63  }
0x7b: {  	v14 =	vld [tilespmem:$0x840];
	_ =	sdelay $0x4  }
0x7c: {  	v15 =	vshrl.u32 v14, $0x3  }
0x7d: {  	v15 =	vmul.u32 $0x30, v15  }
0x7e: {  	v14 =	vand.u32 $0x7, v14  }
0x7f: {  	v14 =	vor.u32 v14, v15  }
0x80: {  	v15 =	vperm.xlane v14, v11;
	_ =	sdelay $0x1  }
0x81: {  	v15 =	vadd.s32 v12, v15;
	_ =	sdelay $0x3  }
0x82: {  	s20 =	simm.s32 $0xC880;
	v14 =	vperm.xlane v14, v13  }
0x83: {  	[tilespmem:s20], [sflag:$0x1] =	stream.indirect_vreg.gather [hbm4b:s2+s3], $0x80, v15, vm0, $0xb8;
	[tilespmem:$0x18880] =	vst v63  }
0x84: {  	s21 =	simm.s32 $0xD080;
	v14 =	vadd.s32 v12, v14  }
0x85: {  	[tilespmem:s21], [sflag:$0x1] =	stream.indirect_vreg.gather [hbm4b:s5+s3], $0x80, v15, vm0, $0xb8;
	[tilespmem:$0x18880] =	vst v63  }
0x86: {  	s20 =	simm.s32 $0xD880  }
0x87: {  	[tilespmem:s20], [sflag:$0x1] =	stream.indirect_vreg.gather [hbm4b:s6+s3], $0x80, v15, vm0, $0xb8;
	[tilespmem:$0x18880] =	vst v63  }
0x88: {  	s21 =	simm.s32 $0xE080  }
0x89: {  	[tilespmem:s21], [sflag:$0x1] =	stream.indirect_vreg.gather [hbm4b:s2+s3], $0x80, v14, vm0, $0xb8;
	[tilespmem:$0x18880] =	vst v63  }
0x8a: {  	s20 =	simm.s32 $0xE880  }
0x8b: {  	[tilespmem:s20], [sflag:$0x1] =	stream.indirect_vreg.gather [hbm4b:s5+s3], $0x80, v14, vm0, $0xb8;
	[tilespmem:$0x18880] =	vst v63  }
0x8c: {  	s21 =	simm.s32 $0xF080  }
0x8d: {  	[tilespmem:s21], [sflag:$0x1] =	stream.indirect_vreg.gather [hbm4b:s6+s3], $0x80, v14, vm0, $0xb8;
	[tilespmem:$0x18880] =	vst v63  }
0x8e: {  	v14 =	vld [tilespmem:$0x850];
	_ =	sdelay $0x4  }
0x8f: {  	v15 =	vshrl.u32 v14, $0x3  }
0x90: {  	v15 =	vmul.u32 $0x30, v15  }
0x91: {  	v14 =	vand.u32 $0x7, v14  }
0x92: {  	v14 =	vor.u32 v14, v15  }
0x93: {  	v15 =	vperm.xlane v14, v11;
	_ =	sdelay $0x1  }
0x94: {  	v15 =	vadd.s32 v12, v15;
	_ =	sdelay $0x3  }
0x95: {  	s20 =	simm.s32 $0xF880;
	v14 =	vperm.xlane v14, v13  }
0x96: {  	[tilespmem:s20], [sflag:$0x1] =	stream.indirect_vreg.gather [hbm4b:s2+s3], $0x80, v15, vm0, $0xb8;
	[tilespmem:$0x18880] =	vst v63  }
0x97: {  	s21 =	simm.s32 $0x10080;
	v14 =	vadd.s32 v12, v14  }
0x98: {  	[tilespmem:s21], [sflag:$0x1] =	stream.indirect_vreg.gather [hbm4b:s5+s3], $0x80, v15, vm0, $0xb8;
	[tilespmem:$0x18880] =	vst v63  }
0x99: {  	_ = 	snop  }
0x9a: {  	[tilespmem:s22], [sflag:$0x1] =	stream.indirect_vreg.gather [hbm4b:s6+s3], $0x80, v15, vm0, $0xb8;
	[tilespmem:$0x18880] =	vst v63  }
0x9b: {  	_ = 	snop  }
0x9c: {  	[tilespmem:s23], [sflag:$0x1] =	stream.indirect_vreg.gather [hbm4b:s2+s3], $0x80, v14, vm0, $0xb8;
	[tilespmem:$0x18880] =	vst v63  }
0x9d: {  	_ = 	snop  }
0x9e: {  	[tilespmem:s24], [sflag:$0x1] =	stream.indirect_vreg.gather [hbm4b:s5+s3], $0x80, v14, vm0, $0xb8;
	[tilespmem:$0x18880] =	vst v63  }
0x9f: {  	_ = 	snop  }
0xa0: {  	[tilespmem:s25], [sflag:$0x1] =	stream.indirect_vreg.gather [hbm4b:s6+s3], $0x80, v14, vm0, $0xb8;
	[tilespmem:$0x18880] =	vst v63  }
0xa1: {  	v14 =	vld [tilespmem:$0x860];
	_ =	sdelay $0x4  }
0xa2: {  	v15 =	vshrl.u32 v14, $0x3  }
0xa3: {  	v15 =	vmul.u32 $0x30, v15  }
0xa4: {  	v14 =	vand.u32 $0x7, v14  }
0xa5: {  	v14 =	vor.u32 v14, v15  }
0xa6: {  	v15 =	vperm.xlane v14, v11;
	_ =	sdelay $0x1  }
0xa7: {  	v15 =	vadd.s32 v12, v15;
	_ =	sdelay $0x3  }
0xa8: {  	v14 =	vperm.xlane v14, v13  }
0xa9: {  	[tilespmem:s26], [sflag:$0x1] =	stream.indirect_vreg.gather [hbm4b:s2+s3], $0x80, v15, vm0, $0xb8;
	[tilespmem:$0x18880] =	vst v63  }
0xaa: {  	v14 =	vadd.s32 v12, v14  }
0xab: {  	[tilespmem:s28], [sflag:$0x1] =	stream.indirect_vreg.gather [hbm4b:s5+s3], $0x80, v15, vm0, $0xb8;
	[tilespmem:$0x18880] =	vst v63  }
0xac: {  	_ = 	snop  }
0xad: {  	[tilespmem:s29], [sflag:$0x1] =	stream.indirect_vreg.gather [hbm4b:s6+s3], $0x80, v15, vm0, $0xb8;
	[tilespmem:$0x18880] =	vst v63  }
0xae: {  	_ = 	snop  }
0xaf: {  	[tilespmem:s30], [sflag:$0x1] =	stream.indirect_vreg.gather [hbm4b:s2+s3], $0x80, v14, vm0, $0xb8;
	[tilespmem:$0x18880] =	vst v63  }
0xb0: {  	_ = 	snop  }
0xb1: {  	[tilespmem:s31], [sflag:$0x1] =	stream.indirect_vreg.gather [hbm4b:s5+s3], $0x80, v14, vm0, $0xb8;
	[tilespmem:$0x18880] =	vst v63  }
0xb2: {  	_ = 	snop  }
0xb3: {  	[tilespmem:s1], [sflag:$0x1] =	stream.indirect_vreg.gather [hbm4b:s6+s3], $0x80, v14, vm0, $0xb8;
	[tilespmem:$0x18880] =	vst v63  }
0xb4: {  	v14 =	vld [tilespmem:$0x870];
	_ =	sdelay $0x4  }
0xb5: {  	v15 =	vshrl.u32 v14, $0x3  }
0xb6: {  	v15 =	vmul.u32 $0x30, v15  }
0xb7: {  	v14 =	vand.u32 $0x7, v14  }
0xb8: {  	v14 =	vor.u32 v14, v15  }
0xb9: {  	v15 =	vperm.xlane v14, v11;
	_ =	sdelay $0x1  }
0xba: {  	v15 =	vadd.s32 v12, v15;
	_ =	sdelay $0x3  }
0xbb: {  	v14 =	vperm.xlane v14, v13  }
0xbc: {  	[tilespmem:s0], [sflag:$0x1] =	stream.indirect_vreg.gather [hbm4b:s2+s3], $0x80, v15, vm0, $0xb8;
	[tilespmem:$0x18880] =	vst v63  }
0xbd: {  	v14 =	vadd.s32 v12, v14  }
0xbe: {  	[tilespmem:s12], [sflag:$0x1] =	stream.indirect_vreg.gather [hbm4b:s5+s3], $0x80, v15, vm0, $0xb8;
	[tilespmem:$0x18880] =	vst v63  }
0xbf: {  	_ = 	snop  }
0xc0: {  	[tilespmem:s13], [sflag:$0x1] =	stream.indirect_vreg.gather [hbm4b:s6+s3], $0x80, v15, vm0, $0xb8;
	[tilespmem:$0x18880] =	vst v63  }
0xc1: {  	_ = 	snop  }
0xc2: {  	[tilespmem:s14], [sflag:$0x1] =	stream.indirect_vreg.gather [hbm4b:s2+s3], $0x80, v14, vm0, $0xb8;
	[tilespmem:$0x18880] =	vst v63  }
0xc3: {  	_ = 	snop  }
0xc4: {  	[tilespmem:s15], [sflag:$0x1] =	stream.indirect_vreg.gather [hbm4b:s5+s3], $0x80, v14, vm0, $0xb8;
	[tilespmem:$0x18880] =	vst v63  }
0xc5: {  	_ = 	snop  }
0xc6: {  	[tilespmem:s16], [sflag:$0x1] =	stream.indirect_vreg.gather [hbm4b:s6+s3], $0x80, v14, vm0, $0xb8;
	[tilespmem:$0x18880] =	vst v63  }
0xc7: {  	s18 =	sadd.s32 $0x1, s18;
	_ =	swait.ge [sflag:s17], $0x18000  }
0xc8: {  	p0 =	sne.s32 s18, s8;
	[sflag:s17] =	ssyncset.done $0x0  }
.Ltmp1:
0xc9: {  	[sflag:s17] =	ssyncadd.s32 $0xFFFE8000;
	(pc) =	sbr.rel @p0 .LBB2_1-.Ltmp1, $4  }
0xca: {  	[hbm4b:s7+s3] =	stream.linear.scatter [tilespmem:s11], [sflag:$0x2], $0x18000, $0x38;
	[tilespmem:$0x18880] =	vst v63  }
0xcb: {  	_ =	swait.ge [sflag:s9], $0x18000  }
0xcc: {  	[sflag:s9] =	ssyncset.done $0x0  }
0xcd: {  	[sflag:s9] =	ssyncadd.s32 $0xFFFE8000  }
0xce: {  	_ =	sfence.sel $0x180000  }
0xcf: {  	[bflag:$0x0] =	sbarrier.arrive $0xFFFF  }
0xd0: {  	_ =	strace $0x90000047  }
0xd1: {  	s0 =	stileid.u32;
	[bflag:$0x2] =	sbarrier.arrive $0xFFFF  }
0xd2: {  	p0 =	sne.s32 s0, $0x0;
	s0 =	rddreg [dreg:$0x2]  }
0xd3: {  	s0 =	sadd.s32 @!p0 $0x100000, s0  }
0xd4: {  	[sflag:s0] =	ssyncadd.tile.s32 @!p0 $0x1;
	_ =	shalt  }
.Lfunc_end2:
_tile_overlayer_lowered:
.L_overlay_start_2:
0xd5: {  	(tag) =	ssettag $0x2  }
0xd6: {  	s0 =	rddreg [dreg:$0x0];
	s2 =	stileid.u32  }
0xd7: {  	s1 =	rddreg [dreg:$0x1];
	p0 =	sne.s32 s2, $0x0  }
0xd8: {  	s3 =	rddreg [dreg:$0x2];
	[bflag:$0x3] =	sbarrier.arrive $0xFFFF;
	s2 =	simm.s32 @!p0 $0x1C02  }
0xd9: {  	[timem:s3], [sflag:s2] =	dma.local @!p0 [hbm:s0], s1  }
0xda: {  	s0 =	simm.s32 @!p0 $0x2  }
0xdb: {  	_ =	swait.ge @!p0 [sflag:s0], s1  }
0xdc: {  	s1 =	ssub.s32 @!p0 $0x0, s1;
	[sflag:s0] =	ssyncset.done @!p0 $0x0  }
0xdd: {  	[sflag:s0] =	ssyncadd.s32 @!p0 s1  }
0xde: {  	[bflag:$0x3] =	sbarrier.arrive $0xFFFF  }
0xdf: {  	_ =	shalt  }

// kernel: kernel.9.cloned.1.call-start
scs
__scs_entry_jumppad:
0x0: {  	(pc) =	sbr.rel $0x88, $3  }
0x1: {  	(tag) =	ssettag $0x0;
	lr =	simm.s32 $0x1  }
0x2: {  	[smem:$0x3F9D] =	sst lr;
	_ =	strace $0xD0000000  }
0x3: {  	_ = 	snop  }
0x4: {  	_ = 	snop  }
0x5: {  	_ = 	snop  }
0x6: {  	_ = 	snop  }
0x7: {  	_ = 	snop  }
__scs_overlays_trampoline_lowered:
0x8: {  	[smem:$0x3FAC] =	sst s0  }
0x9: {  	[smem:$0x3FAD] =	sst s1  }
0xa: {  	[smem:$0x3FAE] =	sst s2  }
0xb: {  	[smem:$0x3FAF] =	sst s3  }
0xc: {  	[smem:$0x3FB0] =	sst s4  }
0xd: {  	[smem:$0x3FB1] =	sst s5  }
0xe: {  	[smem:$0x3FB2] =	sst s6  }
0xf: {  	[smem:$0x3FB3] =	sst s7  }
0x10: {  	[smem:$0x3FB4] =	sst s8  }
0x11: {  	[smem:$0x3FB5] =	sst s9;
	s0 =	simm.s32 @!p0 $0x0  }
0x12: {  	s1 =	sld [smem:$0x3F9B];
	s0 =	simm.s32 @p0 $0x1  }
0x13: {  	[smem:$0x3FB6] =	sst s0;
	s0 =	simm.s32 @!p1 $0x0  }
0x14: {  	s2 =	sld [smem:$0x3F9A];
	s0 =	simm.s32 @p1 $0x1  }
0x15: {  	[smem:$0x3FB7] =	sst s0;
	s0 =	simm.s32 @!p2 $0x0  }
0x16: {  	s3 =	sld [smem:$0x3FDB];
	s0 =	simm.s32 @p2 $0x1  }
0x17: {  	s4 =	simm.s32 $0x1BF5;
	[smem:$0x3FB9] =	sst s0  }
0x18: {  	s0 =	sld [smem:$0x3F9C];
	_ =	swait.ge [sflag:s4], $0x0  }
0x19: {  	s7 =	sld [smem:$0x3F9D]  }
0x1a: {  	s8 =	sadd.s32 $0xFFFFE003, lr  }
0x1b: {  	s9 =	sadd.s32 $0xFFFFFEF7, lr;
	s5 =	simm.s32 $0xFFFFFFFF;
	p2 =	slt.u32 s8, $0xFFFFF086  }
0x1c: {  	p1 =	slt.u32 s9, $0xF7A;
	s5 =	simm.s32 @!p2 $0x0  }
0x1d: {  	s5 =	simm.s32 @p1 $0x1;
	p0 =	seq.s32 s7, s2  }
0x1e: {  	s7 =	smul.u32 @!p0 $0xF7A, s2;
	p2 =	seq.s32 @!p0 s5, $0x0  }
0x1f: {  	s9 =	smul.u32 $0xF7A, s1;
	s8 =	simm.s32 @!p0 $0x1BF5;
	p2 =	por !p2, p0  }
0x20: {  	[sflag:s8] =	ssyncset.s32 @!p0 $0xFFFFF086;
	s6 =	sadd.s32 @!p0 s3, s7;
	s7 =	simm.s32 @!p0 $0x108  }
0x21: {  	s3 =	sadd.s32 s3, s9;
	s6 =	sadd.s32 @!p0 $0x88, s6;
	s7 =	simm.s32 @p2 $0x1082  }
0x22: {  	[simem:s7], [sflag:s8] =	dma.local @!p0 [hbm:s6], $0xF7A  }
0x23: {  	s9 =	sor.u32 $0xD0000000, s2;
	s6 =	simm.s32 $0x108;
	_ =	swait.ge @!p0 [sflag:s8], $0x0  }
0x24: {  	s3 =	sadd.s32 $0x88, s3;
	s6 =	simm.s32 @!p1 $0x1082;
	[sflag:s4] =	ssyncset.s32 $0xFFFFF086  }
0x25: {  	[simem:s6], [sflag:s4] =	dma.local [hbm:s3], $0xF7A  }
0x26: {  	[smem:$0x3F9D] =	sst s1;
	(tag) =	ssettag s2;
	_ =	strace s9  }
0x27: {  	s1 =	sld [smem:$0x3FAD]  }
0x28: {  	s2 =	sld [smem:$0x3FAE]  }
0x29: {  	s4 =	sld [smem:$0x3FB0]  }
0x2a: {  	p0 =	seq.s32 s5, $0x0;
	s5 =	sld [smem:$0x3FB1]  }
0x2b: {  	s6 =	sld [smem:$0x3FB2]  }
0x2c: {  	s7 =	sld [smem:$0x3FB3]  }
0x2d: {  	s3 =	simm.s32 $0x108;
	s8 =	sld [smem:$0x3FB4]  }
0x2e: {  	s3 =	simm.s32 @!p0 $0x1082;
	s9 =	sld [smem:$0x3FB5]  }
0x2f: {  	lr =	sadd.s32 s0, s3;
	s0 =	sld [smem:$0x3FAC]  }
0x30: {  	s3 =	sld [smem:$0x3FAF]  }
0x31: {  	[smem:$0x3FB8] =	sst s10  }
0x32: {  	s10 =	sld [smem:$0x3FB6];
	_ =	sdelay $0x3  }
0x33: {  	p0 =	seq.s32 s10, $0x1;
	s10 =	sld [smem:$0x3FB8];
	_ =	sdelay $0x3  }
0x34: {  	[smem:$0x3FB8] =	sst s10  }
0x35: {  	s10 =	sld [smem:$0x3FB7];
	_ =	sdelay $0x3  }
0x36: {  	p1 =	seq.s32 s10, $0x1;
	s10 =	sld [smem:$0x3FB8];
	_ =	sdelay $0x3  }
0x37: {  	[smem:$0x3FB8] =	sst s10  }
0x38: {  	s10 =	sld [smem:$0x3FB9]  }
0x39: {  	_ = 	snop;
	(pc) =	sbr.ind lr, $3  }
0x3a: {  	_ = 	snop  }
0x3b: {  	_ = 	snop  }
0x3c: {  	p2 =	seq.s32 s10, $0x1;
	s10 =	sld [smem:$0x3FB8]  }
0x3d: {  	_ =	shalt  }
0x3e: {  	_ =	shalt  }
0x3f: {  	_ =	shalt  }
0x40: {  	_ =	shalt  }
0x41: {  	_ =	shalt  }
0x42: {  	_ =	shalt  }
0x43: {  	_ =	shalt  }
0x44: {  	_ =	shalt  }
0x45: {  	_ =	shalt  }
0x46: {  	_ =	shalt  }
0x47: {  	_ =	shalt  }
0x48: {  	_ =	shalt  }
0x49: {  	_ =	shalt  }
0x4a: {  	_ =	shalt  }
0x4b: {  	_ =	shalt  }
0x4c: {  	_ =	shalt  }
0x4d: {  	_ =	shalt  }
0x4e: {  	_ =	shalt  }
0x4f: {  	_ =	shalt  }
0x50: {  	_ =	shalt  }
0x51: {  	_ =	shalt  }
0x52: {  	_ =	shalt  }
0x53: {  	_ =	shalt  }
0x54: {  	_ =	shalt  }
0x55: {  	_ =	shalt  }
0x56: {  	_ =	shalt  }
0x57: {  	_ =	shalt  }
0x58: {  	_ =	shalt  }
0x59: {  	_ =	shalt  }
0x5a: {  	_ =	shalt  }
0x5b: {  	_ =	shalt  }
0x5c: {  	_ =	shalt  }
0x5d: {  	_ =	shalt  }
0x5e: {  	_ =	shalt  }
0x5f: {  	_ =	shalt  }
0x60: {  	_ =	shalt  }
0x61: {  	_ =	shalt  }
0x62: {  	_ =	shalt  }
0x63: {  	_ =	shalt  }
0x64: {  	_ =	shalt  }
0x65: {  	_ =	shalt  }
0x66: {  	_ =	shalt  }
0x67: {  	_ =	shalt  }
0x68: {  	_ =	shalt  }
0x69: {  	_ =	shalt  }
0x6a: {  	_ =	shalt  }
0x6b: {  	_ =	shalt  }
0x6c: {  	_ =	shalt  }
0x6d: {  	_ =	shalt  }
0x6e: {  	_ =	shalt  }
0x6f: {  	_ =	shalt  }
0x70: {  	_ =	shalt  }
0x71: {  	_ =	shalt  }
0x72: {  	_ =	shalt  }
0x73: {  	_ =	shalt  }
0x74: {  	_ =	shalt  }
0x75: {  	_ =	shalt  }
0x76: {  	_ =	shalt  }
0x77: {  	_ =	shalt  }
0x78: {  	_ =	shalt  }
0x79: {  	_ =	shalt  }
0x7a: {  	_ =	shalt  }
0x7b: {  	_ =	shalt  }
0x7c: {  	_ =	shalt  }
0x7d: {  	_ =	shalt  }
0x7e: {  	_ =	shalt  }
0x7f: {  	_ =	shalt  }
0x80: {  	_ =	shalt  }
0x81: {  	_ =	shalt  }
0x82: {  	_ =	shalt  }
0x83: {  	_ =	shalt  }
0x84: {  	_ =	shalt  }
0x85: {  	_ =	shalt  }
0x86: {  	_ =	shalt  }
0x87: {  	_ =	shalt  }
.Lfunc_end0:
.L_simem_size_0:
called_computation.1_lowered:
.L_overlay_start_0:
0x88: {  	s2 =	sld [smem:$0x3FD9]  }
0x89: {  	s3 =	sld [smem:$0x3FFE];
	_ =	sdelay $0x1  }
0x8a: {  	s1 =	srdreg.scid  }
0x8b: {  	s0 =	sand.u32 $0x1, s1  }
0x8c: {  	s17 =	sshll.u32 s0, $0xA;
	s2 =	sadd.s32 s3, s2  }
0x8d: {  	s2 =	sadd.s32 s2, s17  }
0x8e: {  	[smem:$0x3FC4] =	sst s2  }
0x8f: {  	_ = 	snop  }
0x90: {  	s2 =	sld [smem:$0x3FD0];
	(tm) =	ssettm $0x1  }
0x91: {  	s18 =	sld [smem:$0x3FFB];
	_ =	sdelay $0x3  }
0x92: {  	_ =	strace s18  }
0x93: {  	s3 =	sld [smem:$0x3FFC];
	_ =	sdelay $0x3  }
0x94: {  	_ =	strace s3  }
0x95: {  	s3 =	sld [smem:$0x3FFD];
	_ =	sdelay $0x3  }
0x96: {  	_ =	strace s3  }
0x97: {  	_ =	strace $0x8FFFFFFF  }
0x98: {  	s19 =	sld [smem:$0x3FDB];
	_ =	sdelay $0x1  }
0x99: {  	s4 =	simm.s32 $_scs_section_size  }
0x9a: {  	s5 =	simm.s32 $_size__tile_overlayer_lowered;
	s6 =	simm.s32 $_tile_overlayer_lowered  }
0x9b: {  	s22 =	simm.s32 $0x1BFF;
	s21 =	sshll.u32 s6, $0x1;
	s3 =	sadd.s32 s4, s19  }
0x9c: {  	s7 =	simm.s32 $0x0;
	s20 =	sshll.u32 s5, $0x1;
	s5 =	sadd.s32 s21, s3  }
0x9d: {  	[timem:s7], [sflag:s22] =	dma.local [hbm:s5], s20  }
0x9e: {  	_ =	swait.ge [sflag:s22], s20  }
0x9f: {  	s4 =	ssub.s32 $0x0, s20;
	[sflag:s22] =	ssyncset.done $0x0  }
0xa0: {  	[sflag:s22] =	ssyncadd.s32 s4;
	_ =	sdelay $0x1  }
0xa1: {  	s23 =	simm.s32 $0x1B8B  }
0xa2: {  	_ =	swait.ge [sflag:s23], $0x1  }
0xa3: {  	[sflag:s23] =	ssyncset.done $0x0  }
0xa4: {  	s25 =	simm.s32 $0x1B8E;
	s24 =	sld [smem:$0x3FFE];
	[sflag:s23] =	ssyncadd.s32 $0xFFFFFFFF  }
0xa5: {  	s26 =	simm.s32 $execute0_lowered;
	[smem:$0x3FD2] =	sst s25  }
0xa6: {  	s5 =	sshll.u32 s26, $0x1;
	_ =	strace $0x80000049;
	[dreg:$0x1] =	wrdreg $0xFFFFFFFF  }
0xa7: {  	s28 =	simm.s32 $_size_execute0_lowered;
	s3 =	sadd.s32 s3, s5;
	[dreg:$0x0] =	wrdreg $0x0  }
0xa8: {  	s5 =	sshll.u32 s28, $0x1;
	[dreg:$0x2] =	wrdreg s3  }
0xa9: {  	[dreg:$0x3] =	wrdreg s5  }
0xaa: {  	[dreg:$0x4] =	wrdreg $0xC0  }
0xab: {  	_ =	task [dreg:s7], $0x5FFFF  }
0xac: {  	[dreg:$0x1] =	wrdreg $0xFFFFFFFF  }
0xad: {  	[dreg:$0x0] =	wrdreg $0x60  }
0xae: {  	[dreg:$0x2] =	wrdreg s24  }
0xaf: {  	[dreg:$0x3] =	wrdreg s2  }
0xb0: {  	[dreg:$0x4] =	wrdreg $0x9  }
0xb1: {  	_ =	task.clear_ibuf [dreg:s7], $0x5FFFF;
	_ =	strace $0x90000049  }
0xb2: {  	s29 =	simm.s32 $0x9;
	_ =	strace $0x8000004B  }
0xb3: {  	_ =	swait.ge [sflag:s29], $0x1  }
0xb4: {  	[sflag:s29] =	ssyncadd.s32 $0xFFFFFFFF  }
0xb5: {  	_ =	strace $0x9000004B  }
0xb6: {  	_ =	sfence  }
0xb7: {  	s30 =	sld [smem:$0x0];
	_ =	sdelay $0x2  }
0xb8: {  	s31 =	sshll.u32 s1, $0xD;
	s1 =	sshrl.u32 s1, $0x2  }
0xb9: {  	s3 =	sand.u32 $0x4000, s31;
	s1 =	sadd.s32 s1, s30  }
0xba: {  	s0 =	sor.u32 s3, s0;
	s1 =	sshll.u32 s1, $0x11  }
0xbb: {  	s0 =	sor.u32 s1, s0  }
0xbc: {  	s0 =	sadd.s32 $0x8F2B, s0  }
0xbd: {  	[sflag:s0] =	ssyncadd.remote.s32 $0x1  }
0xbe: {  	_ =	sfence.sel $0xFFFF  }
0xbf: {  	[dreg:$0x0] =	wrdreg $0xFFFFFFFF;
	(pc) =	sbr.abs _section_cstart, $3  }
0xc0: {  	[dreg:$0x1] =	wrdreg $0xFFFFFFFF  }
0xc1: {  	_ =	task.clear_ibuf [dreg:s7], $0x2FFFF;
	_ =	strace $0x9FFFFFFF  }
0xc2: {  	(tm) =	ssettm $0x7FFFFFFF  }
0xc3: {  	_ =	shalt  }
tec
execute0_lowered:
.L_overlay_start_1:
0x0: {  	(tag) =	ssettag $0x1  }
0x1: {  	s0 =	rddreg [dreg:$0x0]  }
0x2: {  	s1 =	rddreg [dreg:$0x1];
	s3 =	srdreg.scid  }
0x3: {  	s2 =	simm.s32 $0x0;
	s4 =	stileid.u32;
	s10 =	simm.s32 $0x2  }
0x4: {  	s11 =	simm.s32 $0x80;
	s12 =	simm.s32 $0x100;
	s22 =	simm.s32 $0x5100  }
0x5: {  	s23 =	simm.s32 $0x5900;
	s24 =	simm.s32 $0x6100;
	s25 =	simm.s32 $0x6900  }
0x6: {  	s28 =	simm.s32 $0x7900;
	s29 =	simm.s32 $0x8100;
	s30 =	simm.s32 $0x8900  }
0x7: {  	s31 =	simm.s32 $0x9100;
	s13 =	simm.s32 $0xA900;
	s14 =	simm.s32 $0xB100  }
0x8: {  	s15 =	simm.s32 $0xB900;
	s16 =	simm.s32 $0x1;
	s17 =	simm.s32 $0x0  }
0x9: {  	s3 =	sand.u32 $0x1, s3;
	[smem:$0x7FF] =	sst s2;
	s4 =	sshll.u32 s4, $0x4  }
0xa: {  	s5 =	sshll.u32 s3, $0x3;
	_ =	strace $0x8000004A;
	s26 =	ssub.s32 $0x2, s3  }
0xb: {  	s3 =	sadd.s32 $0x60600, s0;
	s5 =	sor.u32 s5, s4;
	s7 =	sshrl.u32 s26, $0x1  }
0xc: {  	s6 =	sadd.s32 s5, s0;
	s9 =	ssub.s32 s26, s7;
	s8 =	smul.u32 $0x300, s5  }
0xd: {  	v2 =	vlaneseq.u32;
	s7 =	sadd.s32 $0x60800, s0;
	s26 =	simm.s32 $0x7100;
	s4 =	sadd.s32 $0x200, s6  }
0xe: {  	vm0 =	vmmov $0xffff;
	v1 =	vshrl.u32 v2, $0x3;
	s5 =	sadd.s32 $0x60400, s6;
	s6 =	sadd.s32 $0x60700, s0;
	s9 =	smax.u32 s9, $0x1  }
0xf: {  	v0 =	vand.u32 $0x7, v2;
	v2 =	vor.u32 $0x8, v2;
	v1 =	vmul.u32 $0x8, v1;
	s0 =	simm.s32 $0x9900;
	s8 =	sadd.s32 s1, s8;
	s1 =	simm.s32 $0xA100  }
.LBB2_1:
0x10: {  	[tilespmem:s2], [sflag:$0x2] =	stream.linear.gather [hbm4b:s4+s2], $0x40, $0x38;
	[tilespmem:$0xC100] =	vst v63  }
0x11: {  	_ =	swait.ge [sflag:s10], $0x40  }
0x12: {  	[sflag:s10] =	ssyncset.done $0x0  }
0x13: {  	[sflag:s10] =	ssyncadd.s32 $0xFFFFFFC0  }
0x14: {  	[tilespmem:s11], [sflag:$0x2] =	stream.linear.gather [hbm4b:s5+s2], $0x40, $0x38;
	[tilespmem:$0xC100] =	vst v63  }
0x15: {  	_ =	swait.ge [sflag:s10], $0x40  }
0x16: {  	[sflag:s10] =	ssyncset.done $0x0  }
0x17: {  	[sflag:s10] =	ssyncadd.s32 $0xFFFFFFC0  }
0x18: {  	v3 =	vld [tilespmem:$0x0];
	_ =	sdelay $0x4  }
0x19: {  	vm1 =	vgt.s32 v3, $0x0  }
0x1a: {  	v3 =	vnsel vm1, $0x0, v3  }
0x1b: {  	v4 =	vshrl.u32 v3, $0x3  }
0x1c: {  	v5 =	vld [tilespmem:$0x10];
	v4 =	vmul.u32 $0x30, v4  }
0x1d: {  	v6 =	vld [tilespmem:$0x20];
	v7 =	vand.u32 $0x7, v3  }
0x1e: {  	v8 =	vld [tilespmem:$0x30];
	v4 =	vor.u32 v7, v4  }
0x1f: {  	v7 =	vperm.xlane v4, v0;
	_ =	sdelay $0x1  }
0x20: {  	vm1 =	vgt.s32 v5, $0x0;
	v7 =	vadd.s32 v1, v7  }
0x21: {  	[tilespmem:$0x0] =	vst v3;
	v3 =	vnsel vm1, $0x0, v5;
	vm1 =	vgt.s32 v6, $0x0  }
0x22: {  	[tilespmem:$0x10] =	vst v3;
	v3 =	vnsel vm1, $0x0, v6;
	vm1 =	vgt.s32 v8, $0x0  }
0x23: {  	[tilespmem:$0x20] =	vst v3;
	v3 =	vnsel vm1, $0x0, v8  }
0x24: {  	[tilespmem:$0x30] =	vst v3;
	v3 =	vperm.xlane v4, v2  }
0x25: {  	[tilespmem:s12], [sflag:$0x1] =	stream.indirect_vreg.gather [hbm4b:s3+s2], $0x80, v7, vm0, $0xb8;
	[tilespmem:$0xC100] =	vst v63  }
0x26: {  	s18 =	simm.s32 $0x900;
	v3 =	vadd.s32 v1, v3  }
0x27: {  	[tilespmem:s18], [sflag:$0x1] =	stream.indirect_vreg.gather [hbm4b:s6+s2], $0x80, v7, vm0, $0xb8;
	[tilespmem:$0xC100] =	vst v63  }
0x28: {  	s20 =	simm.s32 $0x1100  }
0x29: {  	[tilespmem:s20], [sflag:$0x1] =	stream.indirect_vreg.gather [hbm4b:s7+s2], $0x80, v7, vm0, $0xb8;
	[tilespmem:$0xC100] =	vst v63  }
0x2a: {  	s21 =	simm.s32 $0x1900  }
0x2b: {  	[tilespmem:s21], [sflag:$0x1] =	stream.indirect_vreg.gather [hbm4b:s3+s2], $0x80, v3, vm0, $0xb8;
	[tilespmem:$0xC100] =	vst v63  }
0x2c: {  	s19 =	simm.s32 $0x2100  }
0x2d: {  	[tilespmem:s19], [sflag:$0x1] =	stream.indirect_vreg.gather [hbm4b:s6+s2], $0x80, v3, vm0, $0xb8;
	[tilespmem:$0xC100] =	vst v63  }
0x2e: {  	s20 =	simm.s32 $0x2900  }
0x2f: {  	[tilespmem:s20], [sflag:$0x1] =	stream.indirect_vreg.gather [hbm4b:s7+s2], $0x80, v3, vm0, $0xb8;
	[tilespmem:$0xC100] =	vst v63  }
0x30: {  	v3 =	vld [tilespmem:$0x10];
	_ =	sdelay $0x4  }
0x31: {  	v61 =	vshrl.u32 v3, $0x3  }
0x32: {  	v4 =	vmul.u32 $0x30, v61  }
0x33: {  	v3 =	vand.u32 $0x7, v3  }
0x34: {  	v3 =	vor.u32 v3, v4  }
0x35: {  	v4 =	vperm.xlane v3, v0;
	_ =	sdelay $0x1  }
0x36: {  	v4 =	vadd.s32 v1, v4;
	_ =	sdelay $0x3  }
0x37: {  	s21 =	simm.s32 $0x3100;
	v3 =	vperm.xlane v3, v2  }
0x38: {  	[tilespmem:s21], [sflag:$0x1] =	stream.indirect_vreg.gather [hbm4b:s3+s2], $0x80, v4, vm0, $0xb8;
	[tilespmem:$0xC100] =	vst v63  }
0x39: {  	s19 =	simm.s32 $0x3900;
	v3 =	vadd.s32 v1, v3  }
0x3a: {  	[tilespmem:s19], [sflag:$0x1] =	stream.indirect_vreg.gather [hbm4b:s6+s2], $0x80, v4, vm0, $0xb8;
	[tilespmem:$0xC100] =	vst v63  }
0x3b: {  	s20 =	simm.s32 $0x4100  }
0x3c: {  	[tilespmem:s20], [sflag:$0x1] =	stream.indirect_vreg.gather [hbm4b:s7+s2], $0x80, v4, vm0, $0xb8;
	[tilespmem:$0xC100] =	vst v63  }
0x3d: {  	s21 =	simm.s32 $0x4900  }
0x3e: {  	[tilespmem:s21], [sflag:$0x1] =	stream.indirect_vreg.gather [hbm4b:s3+s2], $0x80, v3, vm0, $0xb8;
	[tilespmem:$0xC100] =	vst v63  }
0x3f: {  	_ = 	snop  }
0x40: {  	[tilespmem:s22], [sflag:$0x1] =	stream.indirect_vreg.gather [hbm4b:s6+s2], $0x80, v3, vm0, $0xb8;
	[tilespmem:$0xC100] =	vst v63  }
0x41: {  	_ = 	snop  }
0x42: {  	[tilespmem:s23], [sflag:$0x1] =	stream.indirect_vreg.gather [hbm4b:s7+s2], $0x80, v3, vm0, $0xb8;
	[tilespmem:$0xC100] =	vst v63  }
0x43: {  	v3 =	vld [tilespmem:$0x20];
	_ =	sdelay $0x4  }
0x44: {  	v62 =	vshrl.u32 v3, $0x3  }
0x45: {  	v4 =	vmul.u32 $0x30, v62  }
0x46: {  	v3 =	vand.u32 $0x7, v3  }
0x47: {  	v3 =	vor.u32 v3, v4  }
0x48: {  	v4 =	vperm.xlane v3, v0;
	_ =	sdelay $0x1  }
0x49: {  	v4 =	vadd.s32 v1, v4;
	_ =	sdelay $0x3  }
0x4a: {  	v3 =	vperm.xlane v3, v2  }
0x4b: {  	[tilespmem:s24], [sflag:$0x1] =	stream.indirect_vreg.gather [hbm4b:s3+s2], $0x80, v4, vm0, $0xb8;
	[tilespmem:$0xC100] =	vst v63  }
0x4c: {  	v3 =	vadd.s32 v1, v3  }
0x4d: {  	[tilespmem:s25], [sflag:$0x1] =	stream.indirect_vreg.gather [hbm4b:s6+s2], $0x80, v4, vm0, $0xb8;
	[tilespmem:$0xC100] =	vst v63  }
0x4e: {  	_ = 	snop  }
0x4f: {  	[tilespmem:s26], [sflag:$0x1] =	stream.indirect_vreg.gather [hbm4b:s7+s2], $0x80, v4, vm0, $0xb8;
	[tilespmem:$0xC100] =	vst v63  }
0x50: {  	_ = 	snop  }
0x51: {  	[tilespmem:s28], [sflag:$0x1] =	stream.indirect_vreg.gather [hbm4b:s3+s2], $0x80, v3, vm0, $0xb8;
	[tilespmem:$0xC100] =	vst v63  }
0x52: {  	_ = 	snop  }
0x53: {  	[tilespmem:s29], [sflag:$0x1] =	stream.indirect_vreg.gather [hbm4b:s6+s2], $0x80, v3, vm0, $0xb8;
	[tilespmem:$0xC100] =	vst v63  }
0x54: {  	_ = 	snop  }
0x55: {  	[tilespmem:s30], [sflag:$0x1] =	stream.indirect_vreg.gather [hbm4b:s7+s2], $0x80, v3, vm0, $0xb8;
	[tilespmem:$0xC100] =	vst v63  }
0x56: {  	v3 =	vld [tilespmem:$0x30];
	_ =	sdelay $0x4  }
0x57: {  	v63 =	vshrl.u32 v3, $0x3  }
0x58: {  	v4 =	vmul.u32 $0x30, v63  }
0x59: {  	v3 =	vand.u32 $0x7, v3  }
0x5a: {  	v3 =	vor.u32 v3, v4  }
0x5b: {  	v4 =	vperm.xlane v3, v0;
	_ =	sdelay $0x1  }
0x5c: {  	v4 =	vadd.s32 v1, v4;
	_ =	sdelay $0x3  }
0x5d: {  	v3 =	vperm.xlane v3, v2  }
0x5e: {  	[tilespmem:s31], [sflag:$0x1] =	stream.indirect_vreg.gather [hbm4b:s3+s2], $0x80, v4, vm0, $0xb8;
	[tilespmem:$0xC100] =	vst v63  }
0x5f: {  	v3 =	vadd.s32 v1, v3  }
0x60: {  	[tilespmem:s0], [sflag:$0x1] =	stream.indirect_vreg.gather [hbm4b:s6+s2], $0x80, v4, vm0, $0xb8;
	[tilespmem:$0xC100] =	vst v63  }
0x61: {  	_ = 	snop  }
0x62: {  	[tilespmem:s1], [sflag:$0x1] =	stream.indirect_vreg.gather [hbm4b:s7+s2], $0x80, v4, vm0, $0xb8;
	[tilespmem:$0xC100] =	vst v63  }
0x63: {  	_ = 	snop  }
0x64: {  	[tilespmem:s13], [sflag:$0x1] =	stream.indirect_vreg.gather [hbm4b:s3+s2], $0x80, v3, vm0, $0xb8;
	[tilespmem:$0xC100] =	vst v63  }
0x65: {  	_ = 	snop  }
0x66: {  	[tilespmem:s14], [sflag:$0x1] =	stream.indirect_vreg.gather [hbm4b:s6+s2], $0x80, v3, vm0, $0xb8;
	[tilespmem:$0xC100] =	vst v63  }
0x67: {  	_ = 	snop  }
0x68: {  	[tilespmem:s15], [sflag:$0x1] =	stream.indirect_vreg.gather [hbm4b:s7+s2], $0x80, v3, vm0, $0xb8;
	[tilespmem:$0xC100] =	vst v63  }
0x69: {  	_ =	swait.ge [sflag:s16], $0xC000  }
0x6a: {  	[sflag:s16] =	ssyncset.done $0x0  }
0x6b: {  	s18 =	simm.s32 $0x0;
	s19 =	simm.s32 $0x0;
	[sflag:s16] =	ssyncadd.s32 $0xFFFF4000  }
.LBB2_2:
0x6c: {  	v3 =	vmov s19  }
0x6d: {  	s20 =	sshrl.u32 s19, $0x3  }
0x6e: {  	s20 =	smul.u32 $0x6000, s20;
	_ =	sdelay $0x1  }
0x6f: {  	s21 =	sand.u32 $0x380, s18;
	s20 =	sshra.s32 s20, $0x2  }
0x70: {  	s20 =	sor.u32 s21, s20;
	v3 =	vld.idx.msk [tilespmem:v3+s11+$0x0], $0xffff  }
0x71: {  	v4 =	vld [tilespmem:s20+$0x100]  }
0x72: {  	v5 =	vld [tilespmem:s20+$0x110]  }
0x73: {  	v6 =	vld [tilespmem:s20+$0x120]  }
0x74: {  	v7 =	vld [tilespmem:s20+$0x130]  }
0x75: {  	v8 =	vld [tilespmem:s20+$0x140]  }
0x76: {  	v9 =	vld [tilespmem:s20+$0x150];
	v4 =	vmul.f32 v4, v3  }
0x77: {  	v10 =	vld [tilespmem:s20+$0x160];
	v5 =	vmul.f32 v5, v3  }
0x78: {  	v31 =	vld [tilespmem:s20+$0x170];
	v30 =	vmul.f32 v6, v3;
	[tilespmem:s20+$0x100] =	vst v4  }
0x79: {  	v33 =	vld [tilespmem:s20+$0x500];
	v32 =	vmul.f32 v7, v3;
	[tilespmem:s20+$0x110] =	vst v5  }
0x7a: {  	v35 =	vld [tilespmem:s20+$0x510];
	v34 =	vmul.f32 v8, v3;
	[tilespmem:s20+$0x120] =	vst v30  }
0x7b: {  	v37 =	vld [tilespmem:s20+$0x520];
	v36 =	vmul.f32 v9, v3;
	[tilespmem:s20+$0x130] =	vst v32  }
0x7c: {  	v39 =	vld [tilespmem:s20+$0x530];
	v38 =	vmul.f32 v10, v3;
	[tilespmem:s20+$0x140] =	vst v34  }
0x7d: {  	v41 =	vld [tilespmem:s20+$0x540];
	v40 =	vmul.f32 v31, v3;
	[tilespmem:s20+$0x150] =	vst v36  }
0x7e: {  	v43 =	vld [tilespmem:s20+$0x550];
	v42 =	vmul.f32 v33, v3;
	[tilespmem:s20+$0x160] =	vst v38  }
0x7f: {  	v45 =	vld [tilespmem:s20+$0x560];
	v44 =	vmul.f32 v35, v3;
	[tilespmem:s20+$0x170] =	vst v40  }
0x80: {  	v47 =	vld [tilespmem:s20+$0x570];
	v46 =	vmul.f32 v37, v3;
	[tilespmem:s20+$0x500] =	vst v42  }
0x81: {  	v49 =	vld [tilespmem:s20+$0x900];
	v48 =	vmul.f32 v39, v3;
	[tilespmem:s20+$0x510] =	vst v44  }
0x82: {  	v51 =	vld [tilespmem:s20+$0x910];
	v50 =	vmul.f32 v41, v3;
	[tilespmem:s20+$0x520] =	vst v46  }
0x83: {  	v53 =	vld [tilespmem:s20+$0x920];
	v52 =	vmul.f32 v43, v3;
	[tilespmem:s20+$0x530] =	vst v48  }
0x84: {  	v55 =	vld [tilespmem:s20+$0x930];
	v54 =	vmul.f32 v45, v3;
	[tilespmem:s20+$0x540] =	vst v50  }
0x85: {  	v57 =	vld [tilespmem:s20+$0x940];
	v56 =	vmul.f32 v47, v3;
	[tilespmem:s20+$0x550] =	vst v52  }
0x86: {  	v59 =	vld [tilespmem:s20+$0x950];
	v58 =	vmul.f32 v49, v3;
	[tilespmem:s20+$0x560] =	vst v54  }
0x87: {  	v61 =	vld [tilespmem:s20+$0x960];
	v60 =	vmul.f32 v51, v3;
	[tilespmem:s20+$0x570] =	vst v56  }
0x88: {  	v63 =	vld [tilespmem:s20+$0x970];
	v62 =	vmul.f32 v53, v3;
	[tilespmem:s20+$0x900] =	vst v58  }
0x89: {  	v13 =	vld [tilespmem:s20+$0xD00];
	v12 =	vmul.f32 v55, v3;
	[tilespmem:s20+$0x910] =	vst v60  }
0x8a: {  	v15 =	vld [tilespmem:s20+$0xD10];
	v14 =	vmul.f32 v57, v3;
	[tilespmem:s20+$0x920] =	vst v62  }
0x8b: {  	v17 =	vld [tilespmem:s20+$0xD20];
	v16 =	vmul.f32 v59, v3;
	[tilespmem:s20+$0x930] =	vst v12  }
0x8c: {  	v19 =	vld [tilespmem:s20+$0xD30];
	v18 =	vmul.f32 v61, v3;
	[tilespmem:s20+$0x940] =	vst v14  }
0x8d: {  	v21 =	vld [tilespmem:s20+$0xD40];
	v20 =	vmul.f32 v63, v3;
	[tilespmem:s20+$0x950] =	vst v16  }
0x8e: {  	v23 =	vld [tilespmem:s20+$0xD50];
	v22 =	vmul.f32 v13, v3;
	[tilespmem:s20+$0x960] =	vst v18  }
0x8f: {  	v25 =	vld [tilespmem:s20+$0xD60];
	v24 =	vmul.f32 v15, v3;
	[tilespmem:s20+$0x970] =	vst v20  }
0x90: {  	v27 =	vld [tilespmem:s20+$0xD70];
	v26 =	vmul.f32 v17, v3;
	[tilespmem:s20+$0xD00] =	vst v22  }
0x91: {  	v29 =	vld [tilespmem:s20+$0x1100];
	v28 =	vmul.f32 v19, v3;
	[tilespmem:s20+$0xD10] =	vst v24  }
0x92: {  	v31 =	vld [tilespmem:s20+$0x1110];
	[tilespmem:s20+$0xD20] =	vst v26;
	v30 =	vmul.f32 v21, v3  }
0x93: {  	v33 =	vld [tilespmem:s20+$0x1120];
	[tilespmem:s20+$0xD30] =	vst v28;
	v32 =	vmul.f32 v23, v3  }
0x94: {  	v35 =	vld [tilespmem:s20+$0x1130];
	v34 =	vmul.f32 v25, v3;
	[tilespmem:s20+$0xD40] =	vst v30  }
0x95: {  	v37 =	vld [tilespmem:s20+$0x1140];
	v36 =	vmul.f32 v27, v3;
	[tilespmem:s20+$0xD50] =	vst v32  }
0x96: {  	v39 =	vld [tilespmem:s20+$0x1150];
	v38 =	vmul.f32 v29, v3;
	[tilespmem:s20+$0xD60] =	vst v34  }
0x97: {  	v41 =	vld [tilespmem:s20+$0x1160];
	[tilespmem:s20+$0xD70] =	vst v36;
	v40 =	vmul.f32 v31, v3  }
0x98: {  	v43 =	vld [tilespmem:s20+$0x1170];
	[tilespmem:s20+$0x1100] =	vst v38;
	v42 =	vmul.f32 v33, v3  }
0x99: {  	v45 =	vld [tilespmem:s20+$0x1500];
	v44 =	vmul.f32 v35, v3;
	[tilespmem:s20+$0x1110] =	vst v40  }
0x9a: {  	v47 =	vld [tilespmem:s20+$0x1510];
	v46 =	vmul.f32 v37, v3;
	[tilespmem:s20+$0x1120] =	vst v42  }
0x9b: {  	v49 =	vld [tilespmem:s20+$0x1520];
	v48 =	vmul.f32 v39, v3;
	[tilespmem:s20+$0x1130] =	vst v44  }
0x9c: {  	v51 =	vld [tilespmem:s20+$0x1530];
	v50 =	vmul.f32 v41, v3;
	[tilespmem:s20+$0x1140] =	vst v46  }
0x9d: {  	v53 =	vld [tilespmem:s20+$0x1540];
	v52 =	vmul.f32 v43, v3;
	[tilespmem:s20+$0x1150] =	vst v48  }
0x9e: {  	v55 =	vld [tilespmem:s20+$0x1550];
	v54 =	vmul.f32 v45, v3;
	[tilespmem:s20+$0x1160] =	vst v50  }
0x9f: {  	v57 =	vld [tilespmem:s20+$0x1560];
	v56 =	vmul.f32 v47, v3;
	[tilespmem:s20+$0x1170] =	vst v52  }
0xa0: {  	v59 =	vld [tilespmem:s20+$0x1570];
	v58 =	vmul.f32 v49, v3;
	[tilespmem:s20+$0x1500] =	vst v54  }
0xa1: {  	v60 =	vmul.f32 v51, v3;
	[tilespmem:s20+$0x1510] =	vst v56  }
0xa2: {  	p0 =	sne.s32 s19, $0x3F;
	v61 =	vmul.f32 v53, v3;
	[tilespmem:s20+$0x1520] =	vst v58  }
.Ltmp0:
0xa3: {  	v62 =	vmul.f32 v55, v3;
	[tilespmem:s20+$0x1530] =	vst v60;
	(pc) =	sbr.rel @p0 .LBB2_2-.Ltmp0, $4  }
0xa4: {  	v63 =	vmul.f32 v57, v3;
	[tilespmem:s20+$0x1540] =	vst v61  }
0xa5: {  	v3 =	vmul.f32 v59, v3;
	[tilespmem:s20+$0x1550] =	vst v62  }
0xa6: {  	[tilespmem:s20+$0x1560] =	vst v63  }
0xa7: {  	s18 =	sadd.s32 $0x80, s18;
	s19 =	sadd.s32 $0x1, s19;
	[tilespmem:s20+$0x1570] =	vst v3  }
0xa8: {  	s17 =	sadd.s32 $0x1, s17  }
0xa9: {  	p0 =	sne.s32 s17, s9  }
.Ltmp1:
0xaa: {  	_ = 	snop;
	(pc) =	sbr.rel @p0 .LBB2_1-.Ltmp1, $4  }
0xab: {  	[hbm4b:s8+s2] =	stream.linear.scatter [tilespmem:s12], [sflag:$0x2], $0xC000, $0x38;
	[tilespmem:$0xC100] =	vst v63  }
0xac: {  	_ =	swait.ge [sflag:s10], $0xC000  }
0xad: {  	[sflag:s10] =	ssyncset.done $0x0  }
0xae: {  	[sflag:s10] =	ssyncadd.s32 $0xFFFF4000  }
0xaf: {  	_ =	sfence.sel $0x180000  }
0xb0: {  	[bflag:$0x0] =	sbarrier.arrive $0xFFFF  }
0xb1: {  	_ =	strace $0x9000004A  }
0xb2: {  	s0 =	stileid.u32;
	[bflag:$0x2] =	sbarrier.arrive $0xFFFF  }
0xb3: {  	p0 =	sne.s32 s0, $0x0;
	s0 =	rddreg [dreg:$0x2]  }
0xb4: {  	s0 =	sadd.s32 @!p0 $0x100000, s0  }
0xb5: {  	[sflag:s0] =	ssyncadd.tile.s32 @!p0 $0x1;
	_ =	shalt  }
.Lfunc_end2:
_tile_overlayer_lowered:
.L_overlay_start_2:
0xb6: {  	(tag) =	ssettag $0x2  }
0xb7: {  	s0 =	rddreg [dreg:$0x0];
	s2 =	stileid.u32  }
0xb8: {  	s1 =	rddreg [dreg:$0x1];
	p0 =	sne.s32 s2, $0x0  }
0xb9: {  	s3 =	rddreg [dreg:$0x2];
	[bflag:$0x3] =	sbarrier.arrive $0xFFFF;
	s2 =	simm.s32 @!p0 $0x1C02  }
0xba: {  	[timem:s3], [sflag:s2] =	dma.local @!p0 [hbm:s0], s1  }
0xbb: {  	s0 =	simm.s32 @!p0 $0x2  }
0xbc: {  	_ =	swait.ge @!p0 [sflag:s0], s1  }
0xbd: {  	s1 =	ssub.s32 @!p0 $0x0, s1;
	[sflag:s0] =	ssyncset.done @!p0 $0x0  }
0xbe: {  	[sflag:s0] =	ssyncadd.s32 @!p0 s1  }
0xbf: {  	[bflag:$0x3] =	sbarrier.arrive $0xFFFF  }
0xc0: {  	_ =	shalt  }

</sc_bundles>
